<compile_context>
chip_gen: v7x
topology: tpu7x:2x2x1
jax: 0.10.2.dev20260603
libtpu: 0.0.44.dev20260713+nightly
codegen_flags: <defaults>
</compile_context>

<pallas_src>
import functools

import jax
import jax.numpy as jnp
from jax import lax
from jax.experimental import pallas as pl
from jax.experimental.pallas import tpu as pltpu
from jax.experimental.pallas import tpu_sc as plsc

N = 10000
D = 128
E = 320000
NC, NS = 2, 16
NW = NC * NS
EPT = E // NW
CHUNK = 120
BLK = 6
NBLK = 14
NCH = BLK * NBLK
NP = 10112
RPT = NP // NS
SLAB = NCH * CHUNK
FPAD = 256

_mesh = plsc.VectorSubcoreMesh(core_axis_name="c", subcore_axis_name="s")


@functools.partial(
    pl.kernel,
    out_type=(jax.ShapeDtypeStruct((NC, NP, D), jnp.float32),
              jax.ShapeDtypeStruct((NW * SLAB + FPAD, D), jnp.float32)),
    mesh=_mesh,
    scratch_types=[
        pltpu.VMEM_SHARED((NP, D), jnp.float32),
        pltpu.VMEM((2 * BLK, CHUNK), jnp.int32),
        pltpu.VMEM((CHUNK, D), jnp.float32),
        pltpu.VMEM((CHUNK, D), jnp.float32),
        pltpu.VMEM((CHUNK, D), jnp.float32),
        pltpu.SemaphoreType.DMA,
        pltpu.SemaphoreType.DMA,
        pltpu.SemaphoreType.DMA,
        pltpu.SemaphoreType.DMA,
        pltpu.SemaphoreType.DMA,
        pltpu.SemaphoreType.DMA,
    ],
)
def _scatter_sum(table_hbm, src_hbm, dst_hbm, out_hbm, feat_hbm,
                 sp, ib, rows0, rows1, rows2, g0, g1, g2, w0, w1, w2):
    c = lax.axis_index("c")
    s = lax.axis_index("s")
    wid = c * NS + s
    r0 = s * RPT
    fbase = wid * SLAB
    rows = (rows0, rows1, rows2)
    g = (g0, g1, g2)
    w = (w0, w1, w2)

    def feat(j):
        return feat_hbm.at[pl.ds(fbase + j * CHUNK, CHUNK)]

    @pl.when(s < NS - 1)
    def _stage_full():
        pltpu.sync_copy(table_hbm.at[pl.ds(r0, RPT)], sp.at[pl.ds(r0, RPT)])

    @pl.when(s == NS - 1)
    def _stage_tail():
        pltpu.sync_copy(table_hbm.at[pl.ds(r0, N - (NS - 1) * RPT)],
                        sp.at[pl.ds(r0, N - (NS - 1) * RPT)])

    plsc.subcore_barrier()

    for i in range(3):
        pltpu.async_copy(rows[i], feat(i), w[i])

    def _p1blk(blk, carry):
        h = (blk % 2) * BLK
        pltpu.sync_copy(src_hbm.at[c, s, blk], ib.at[pl.ds(h, BLK)])
        j0 = blk * BLK
        for u in range(BLK):
            b = u % 3
            pltpu.make_async_copy(rows[b], feat(0), w[b]).wait()
            pltpu.async_copy(sp.at[ib.at[h + u]], rows[b], g[b])
            bw = (u + 1) % 3
            if u < 2:
                @pl.when(blk > 0)
                def _wlag():
                    pltpu.make_async_copy(sp.at[ib.at[h + u]],
                                          rows[bw], g[bw]).wait()
                    pltpu.async_copy(rows[bw], feat(j0 + u - 2), w[bw])
            else:
                pltpu.make_async_copy(sp.at[ib.at[h + u]],
                                      rows[bw], g[bw]).wait()
                pltpu.async_copy(rows[bw], feat(j0 + u - 2), w[bw])
        return carry

    lax.fori_loop(0, NBLK, _p1blk, 0)
    pltpu.make_async_copy(rows[(NCH - 2) % 3], feat(0), g[(NCH - 2) % 3]).wait()
    pltpu.async_copy(rows[(NCH - 2) % 3], feat(NCH - 2), w[(NCH - 2) % 3])
    pltpu.make_async_copy(rows[(NCH - 1) % 3], feat(0), g[(NCH - 1) % 3]).wait()
    pltpu.async_copy(rows[(NCH - 1) % 3], feat(NCH - 1), w[(NCH - 1) % 3])
    for i in range(3):
        pltpu.make_async_copy(rows[i], feat(0), w[i]).wait()

    plsc.subcore_barrier()

    zero = jnp.zeros((16,), jnp.float32)

    def _zrow(i, carry):
        for q in range(D // 16):
            rows0[i, pl.ds(q * 16, 16)] = zero
        return carry

    lax.fori_loop(0, CHUNK, _zrow, 0)
    for off in (0, CHUNK, 2 * CHUNK, 3 * CHUNK, 4 * CHUNK, RPT - CHUNK):
        pltpu.sync_copy(rows0, sp.at[pl.ds(r0 + off, CHUNK)])

    plsc.subcore_barrier()

    pltpu.async_copy(feat(0), rows0, g0)
    pltpu.async_copy(feat(1), rows1, g1)

    def _p2blk(blk, carry):
        h = (blk % 2) * BLK
        pltpu.sync_copy(dst_hbm.at[c, s, blk], ib.at[pl.ds(h, BLK)])
        j0 = blk * BLK
        for u in range(BLK):
            b = u % 3
            pltpu.async_copy(feat(j0 + u + 2), rows[(u + 2) % 3],
                             g[(u + 2) % 3])
            pltpu.make_async_copy(feat(j0 + u), rows[b], g[b]).wait()
            pltpu.sync_copy(rows[b], sp.at[ib.at[h + u]], add=True)
        return carry

    lax.fori_loop(0, NBLK, _p2blk, 0)
    pltpu.make_async_copy(feat(NCH), rows[NCH % 3], g[NCH % 3]).wait()
    pltpu.make_async_copy(feat(NCH + 1), rows[(NCH + 1) % 3],
                          g[(NCH + 1) % 3]).wait()

    plsc.subcore_barrier()

    pltpu.sync_copy(sp.at[pl.ds(r0, RPT)], out_hbm.at[c, pl.ds(r0, RPT)])


def _add_block(a_ref, b_ref, o_ref):
    o_ref[...] = a_ref[0] + b_ref[0]


_combine = pl.pallas_call(
    _add_block,
    grid=(10,),
    in_specs=[pl.BlockSpec((1, N // 10, D), lambda i: (0, i, 0)),
              pl.BlockSpec((1, N // 10, D), lambda i: (1, i, 0))],
    out_specs=pl.BlockSpec((N // 10, D), lambda i: (i, 0)),
    out_shape=jax.ShapeDtypeStruct((N, D), jnp.float32),
)


def kernel(face_x, face_index):
    src = face_index[0].astype(jnp.int32).reshape(NC, NS, EPT)
    dst = face_index[1].astype(jnp.int32).reshape(NC, NS, EPT)
    pad = SLAB - EPT
    src = jnp.pad(src, ((0, 0), (0, 0), (0, pad))
                  ).reshape(NC, NS, NBLK, BLK, CHUNK)
    dst = jnp.pad(dst, ((0, 0), (0, 0), (0, pad)),
                  constant_values=N).reshape(NC, NS, NBLK, BLK, CHUNK)
    y, _ = _scatter_sum(face_x, src, dst)
    return _combine(y, y)

# --- scband reference (transcript-rebuilt; emitter-appended) ---
"""Pipeline reference for scband-init-reduce-conv-4372276707363 (READ-ONLY COPY).

The authoritative reference and input builder live on the scoring server;
editing this copy changes nothing except your own understanding.
"""

import jax, jax.numpy as jnp
import numpy as np


def setup_inputs(seed: int = 0) -> dict:
    key = jax.random.key(seed)
    k1, k2 = jax.random.split(key)
    face_x = jax.random.normal(k1, (10000, 128), dtype=jnp.float32)
    face_index = jax.random.randint(k2, (2, 320000), 0, 10000, dtype=jnp.int64)
    return {"face_x": face_x, "face_index": face_index}


def reference(face_x, face_index):
    # gather features from source faces
    features = jnp.take(face_x, face_index[0], axis=0)
    # dim_size = face_index[1].max() + 1
    out_size = face_x.shape[0]
    # scatter-add (reduce='add') into destination rows
    out = jax.ops.segment_sum(features, face_index[1], num_segments=out_size)
    return out

if __name__ == "__main__":
    import jax
    _d = setup_inputs()
    print(jax.jit(kernel)(*tuple(_d.values())))

</pallas_src>

<mosaic_0001>
#map = affine_map<(d0, d1) -> (0, 0)>
#map1 = affine_map<(d0, d1) -> (0, 0, 0, 0, 0)>
#map2 = affine_map<(d0, d1) -> (0, 0, 0)>
module attributes {stable_mosaic.version = 14 : i64} {
  func.func @_scatter_sum(%arg0: i32, %arg1: i32, %arg2: memref<10000x128xf32, #tpu.memory_space<hbm>>, %arg3: memref<2x16x14x6x120xi32, #tpu.memory_space<hbm>>, %arg4: memref<2x16x14x6x120xi32, #tpu.memory_space<hbm>>, %arg5: memref<2x10112x128xf32, #tpu.memory_space<hbm>>, %arg6: memref<322816x128xf32, #tpu.memory_space<hbm>>, %arg7: memref<10112x128xf32, #tpu.memory_space<vmem_shared>>, %arg8: memref<12x120xi32, #tpu.memory_space<vmem>>, %arg9: memref<120x128xf32, #tpu.memory_space<vmem>>, %arg10: memref<120x128xf32, #tpu.memory_space<vmem>>, %arg11: memref<120x128xf32, #tpu.memory_space<vmem>>, %arg12: memref<!tpu.dma_semaphore, #tpu.memory_space<semaphore_mem>>, %arg13: memref<!tpu.dma_semaphore, #tpu.memory_space<semaphore_mem>>, %arg14: memref<!tpu.dma_semaphore, #tpu.memory_space<semaphore_mem>>, %arg15: memref<!tpu.dma_semaphore, #tpu.memory_space<semaphore_mem>>, %arg16: memref<!tpu.dma_semaphore, #tpu.memory_space<semaphore_mem>>, %arg17: memref<!tpu.dma_semaphore, #tpu.memory_space<semaphore_mem>>) attributes {dimension_semantics = [#tpu.dimension_semantics<core_parallel>, #tpu.dimension_semantics<subcore_parallel>], iteration_bounds = array<i64: 2, 16>, scalar_prefetch = 0 : i64, scratch_operands = 11 : i64, tpu.core_type = #tpu.core_type<sc_vector_subcore>, window_params = [{transform_indices = #map}, {transform_indices = #map1}, {transform_indices = #map1}, {transform_indices = #map2}, {transform_indices = #map}]} {
    %mul3A = arith.constant 16 : i32
    %mul3A_0 = arith.muli %arg0, %mul3A : i32
    %add3A = arith.addi %mul3A_0, %arg1 : i32
    %mul3A_1 = arith.constant 632 : i32
    %mul3A_2 = arith.muli %arg1, %mul3A_1 : i32
    %mul3A_3 = arith.constant 10080 : i32
    %mul3A_4 = arith.muli %add3A, %mul3A_3 : i32
    %lt3A = arith.constant 15 : i32
    %lt3A_5 = arith.cmpi slt, %arg1, %lt3A : i32
    %convert_element_type3A = arith.extui %lt3A_5 : i1 to i32
    %cond3A = arith.constant 0 : i32
    %cond3A_6 = arith.cmpi ne, %convert_element_type3A, %cond3A : i32
    scf.if %cond3A_6 {
      "tpu.region"() ({
        %run_scoped3A = tpu.sem_alloc : memref<!tpu.dma_semaphore, #tpu.memory_space<semaphore_mem>>
        %dma_start3A_126 = arith.constant 0 : i32
        %dma_start3A_127 = tpu.memref_slice %arg7[%mul3A_2, %dma_start3A_126] : memref<10112x128xf32, #tpu.memory_space<vmem_shared>> -> memref<632x128xf32, #tpu.memory_space<vmem_shared>>
        %dma_start3A_128 = arith.constant 0 : i32
        %dma_start3A_129 = tpu.memref_slice %arg2[%mul3A_2, %dma_start3A_128] : memref<10000x128xf32, #tpu.memory_space<hbm>> -> memref<632x128xf32, #tpu.memory_space<hbm>>
        tpu.enqueue_dma source(%dma_start3A_129 : memref<632x128xf32, #tpu.memory_space<hbm>>) target(%dma_start3A_127 : memref<632x128xf32, #tpu.memory_space<vmem_shared>>) target_semaphore(%run_scoped3A : memref<!tpu.dma_semaphore, #tpu.memory_space<semaphore_mem>>)
        %dma_wait3A_130 = arith.constant 0 : i32
        %dma_wait3A_131 = tpu.memref_slice %arg7[%mul3A_2, %dma_wait3A_130] : memref<10112x128xf32, #tpu.memory_space<vmem_shared>> -> memref<632x128xf32, #tpu.memory_space<vmem_shared>>
        %dma_wait3A_132 = arith.constant 0 : i32
        %dma_wait3A_133 = tpu.memref_slice %arg2[%mul3A_2, %dma_wait3A_132] : memref<10000x128xf32, #tpu.memory_space<hbm>> -> memref<632x128xf32, #tpu.memory_space<hbm>>
        tpu.wait_dma2 semaphore(%run_scoped3A : memref<!tpu.dma_semaphore, #tpu.memory_space<semaphore_mem>>) src(%dma_wait3A_133 : memref<632x128xf32, #tpu.memory_space<hbm>>) dst(%dma_wait3A_131 : memref<632x128xf32, #tpu.memory_space<vmem_shared>>)
        tpu.yield
      }) : () -> ()
    } else {
    }
    %eq3A = arith.constant 15 : i32
    %eq3A_7 = arith.cmpi eq, %arg1, %eq3A : i32
    %convert_element_type3A_8 = arith.extui %eq3A_7 : i1 to i32
    %cond3A_9 = arith.constant 0 : i32
    %cond3A_10 = arith.cmpi ne, %convert_element_type3A_8, %cond3A_9 : i32
    scf.if %cond3A_10 {
      "tpu.region"() ({
        %run_scoped3A = tpu.sem_alloc : memref<!tpu.dma_semaphore, #tpu.memory_space<semaphore_mem>>
        %dma_start3A_126 = arith.constant 0 : i32
        %dma_start3A_127 = tpu.memref_slice %arg7[%mul3A_2, %dma_start3A_126] : memref<10112x128xf32, #tpu.memory_space<vmem_shared>> -> memref<520x128xf32, #tpu.memory_space<vmem_shared>>
        %dma_start3A_128 = arith.constant 0 : i32
        %dma_start3A_129 = tpu.memref_slice %arg2[%mul3A_2, %dma_start3A_128] : memref<10000x128xf32, #tpu.memory_space<hbm>> -> memref<520x128xf32, #tpu.memory_space<hbm>>
        tpu.enqueue_dma source(%dma_start3A_129 : memref<520x128xf32, #tpu.memory_space<hbm>>) target(%dma_start3A_127 : memref<520x128xf32, #tpu.memory_space<vmem_shared>>) target_semaphore(%run_scoped3A : memref<!tpu.dma_semaphore, #tpu.memory_space<semaphore_mem>>)
        %dma_wait3A_130 = arith.constant 0 : i32
        %dma_wait3A_131 = tpu.memref_slice %arg7[%mul3A_2, %dma_wait3A_130] : memref<10112x128xf32, #tpu.memory_space<vmem_shared>> -> memref<520x128xf32, #tpu.memory_space<vmem_shared>>
        %dma_wait3A_132 = arith.constant 0 : i32
        %dma_wait3A_133 = tpu.memref_slice %arg2[%mul3A_2, %dma_wait3A_132] : memref<10000x128xf32, #tpu.memory_space<hbm>> -> memref<520x128xf32, #tpu.memory_space<hbm>>
        tpu.wait_dma2 semaphore(%run_scoped3A : memref<!tpu.dma_semaphore, #tpu.memory_space<semaphore_mem>>) src(%dma_wait3A_133 : memref<520x128xf32, #tpu.memory_space<hbm>>) dst(%dma_wait3A_131 : memref<520x128xf32, #tpu.memory_space<vmem_shared>>)
        tpu.yield
      }) : () -> ()
    } else {
    }
    %barrier3A = arith.constant 0 : index
    tpu.barrier barrier_id(%barrier3A)
    %add3A_11 = arith.constant 0 : i32
    %add3A_12 = arith.addi %mul3A_4, %add3A_11 : i32
    %dma_start3A = arith.constant 0 : i32
    %dma_start3A_13 = tpu.memref_slice %arg6[%add3A_12, %dma_start3A] : memref<322816x128xf32, #tpu.memory_space<hbm>> -> memref<120x128xf32, #tpu.memory_space<hbm>>
    %dma_start3A_14 = arith.constant 0 : i32
    %dma_start3A_15 = tpu.memref_slice %arg6[%add3A_12, %dma_start3A_14] : memref<322816x128xf32, #tpu.memory_space<hbm>> -> memref<120x128xf32, #tpu.memory_space<hbm>>
    tpu.enqueue_dma source(%arg9 : memref<120x128xf32, #tpu.memory_space<vmem>>) target(%dma_start3A_15 : memref<120x128xf32, #tpu.memory_space<hbm>>) target_semaphore(%arg15 : memref<!tpu.dma_semaphore, #tpu.memory_space<semaphore_mem>>)
    %add3A_16 = arith.constant 120 : i32
    %add3A_17 = arith.addi %mul3A_4, %add3A_16 : i32
    %dma_start3A_18 = arith.constant 0 : i32
    %dma_start3A_19 = tpu.memref_slice %arg6[%add3A_17, %dma_start3A_18] : memref<322816x128xf32, #tpu.memory_space<hbm>> -> memref<120x128xf32, #tpu.memory_space<hbm>>
    %dma_start3A_20 = arith.constant 0 : i32
    %dma_start3A_21 = tpu.memref_slice %arg6[%add3A_17, %dma_start3A_20] : memref<322816x128xf32, #tpu.memory_space<hbm>> -> memref<120x128xf32, #tpu.memory_space<hbm>>
    tpu.enqueue_dma source(%arg10 : memref<120x128xf32, #tpu.memory_space<vmem>>) target(%dma_start3A_21 : memref<120x128xf32, #tpu.memory_space<hbm>>) target_semaphore(%arg16 : memref<!tpu.dma_semaphore, #tpu.memory_space<semaphore_mem>>)
    %add3A_22 = arith.constant 240 : i32
    %add3A_23 = arith.addi %mul3A_4, %add3A_22 : i32
    %dma_start3A_24 = arith.constant 0 : i32
    %dma_start3A_25 = tpu.memref_slice %arg6[%add3A_23, %dma_start3A_24] : memref<322816x128xf32, #tpu.memory_space<hbm>> -> memref<120x128xf32, #tpu.memory_space<hbm>>
    %dma_start3A_26 = arith.constant 0 : i32
    %dma_start3A_27 = tpu.memref_slice %arg6[%add3A_23, %dma_start3A_26] : memref<322816x128xf32, #tpu.memory_space<hbm>> -> memref<120x128xf32, #tpu.memory_space<hbm>>
    tpu.enqueue_dma source(%arg11 : memref<120x128xf32, #tpu.memory_space<vmem>>) target(%dma_start3A_27 : memref<120x128xf32, #tpu.memory_space<hbm>>) target_semaphore(%arg17 : memref<!tpu.dma_semaphore, #tpu.memory_space<semaphore_mem>>)
    %scan3A = arith.constant 0 : i32
    %scan3A_28 = arith.constant 0 : i32
    %scan3A_29 = arith.constant 14 : i32
    %scan3A_30 = arith.addi %scan3A_28, %scan3A_29 : i32
    %scan3A_31 = arith.constant 1 : i32
    scf.for %scan3A_126 = %scan3A_28 to %scan3A_30 step %scan3A_31  : i32 {
      %jit3A = arith.constant 2 : i32
      %eq3A_127 = arith.constant 0 : i32
      %eq3A_128 = arith.cmpi eq, %jit3A, %eq3A_127 : i32
      %jit3A_129 = arith.constant 1 : i32
      %select_n3A = arith.select %eq3A_128, %jit3A_129, %jit3A : i32
      %rem3A = arith.remsi %scan3A_126, %select_n3A : i32
      %ne3A = arith.constant 0 : i32
      %ne3A_130 = arith.cmpi ne, %rem3A, %ne3A : i32
      %lt3A_131 = arith.constant 0 : i32
      %lt3A_132 = arith.cmpi slt, %rem3A, %lt3A_131 : i32
      %lt3A_133 = arith.constant 0 : i32
      %lt3A_134 = arith.cmpi slt, %select_n3A, %lt3A_133 : i32
      %ne3A_135 = arith.xori %lt3A_132, %lt3A_134 : i1
      %and3A = arith.andi %ne3A_135, %ne3A_130 : i1
      %add3A_136 = arith.addi %rem3A, %select_n3A : i32
      %select_n3A_137 = arith.select %and3A, %add3A_136, %rem3A : i32
      %mul3A_138 = arith.constant 6 : i32
      %mul3A_139 = arith.muli %select_n3A_137, %mul3A_138 : i32
      "tpu.region"() ({
        %run_scoped3A = tpu.sem_alloc : memref<!tpu.dma_semaphore, #tpu.memory_space<semaphore_mem>>
        %dma_start3A_310 = arith.constant 0 : i32
        %dma_start3A_311 = tpu.memref_slice %arg8[%mul3A_139, %dma_start3A_310] : memref<12x120xi32, #tpu.memory_space<vmem>> -> memref<6x120xi32, #tpu.memory_space<vmem>>
        %dma_start3A_312 = arith.constant 0 : i32
        %dma_start3A_313 = arith.constant 0 : i32
        %dma_start3A_314 = tpu.memref_slice %arg3[%arg0, %arg1, %scan3A_126, %dma_start3A_312, %dma_start3A_313] : memref<2x16x14x6x120xi32, #tpu.memory_space<hbm>> -> memref<1x1x1x6x120xi32, #tpu.memory_space<hbm>>
        %dma_start3A_315 = tpu.memref_squeeze %dma_start3A_314 : memref<1x1x1x6x120xi32, #tpu.memory_space<hbm>> -> memref<6x120xi32, #tpu.memory_space<hbm>>
        %dma_start3A_316 = arith.constant 0 : i32
        %dma_start3A_317 = tpu.memref_slice %arg8[%mul3A_139, %dma_start3A_316] : memref<12x120xi32, #tpu.memory_space<vmem>> -> memref<6x120xi32, #tpu.memory_space<vmem>>
        %dma_start3A_318 = arith.constant 0 : i32
        %dma_start3A_319 = arith.constant 0 : i32
        %dma_start3A_320 = tpu.memref_slice %arg3[%arg0, %arg1, %scan3A_126, %dma_start3A_318, %dma_start3A_319] : memref<2x16x14x6x120xi32, #tpu.memory_space<hbm>> -> memref<1x1x1x6x120xi32, #tpu.memory_space<hbm>>
        %dma_start3A_321 = tpu.memref_squeeze %dma_start3A_320 : memref<1x1x1x6x120xi32, #tpu.memory_space<hbm>> -> memref<6x120xi32, #tpu.memory_space<hbm>>
        tpu.enqueue_dma source(%dma_start3A_321 : memref<6x120xi32, #tpu.memory_space<hbm>>) target(%dma_start3A_317 : memref<6x120xi32, #tpu.memory_space<vmem>>) target_semaphore(%run_scoped3A : memref<!tpu.dma_semaphore, #tpu.memory_space<semaphore_mem>>)
        %dma_wait3A_322 = arith.constant 0 : i32
        %dma_wait3A_323 = tpu.memref_slice %arg8[%mul3A_139, %dma_wait3A_322] : memref<12x120xi32, #tpu.memory_space<vmem>> -> memref<6x120xi32, #tpu.memory_space<vmem>>
        %dma_wait3A_324 = arith.constant 0 : i32
        %dma_wait3A_325 = arith.constant 0 : i32
        %dma_wait3A_326 = tpu.memref_slice %arg3[%arg0, %arg1, %scan3A_126, %dma_wait3A_324, %dma_wait3A_325] : memref<2x16x14x6x120xi32, #tpu.memory_space<hbm>> -> memref<1x1x1x6x120xi32, #tpu.memory_space<hbm>>
        %dma_wait3A_327 = tpu.memref_squeeze %dma_wait3A_326 : memref<1x1x1x6x120xi32, #tpu.memory_space<hbm>> -> memref<6x120xi32, #tpu.memory_space<hbm>>
        %dma_wait3A_328 = arith.constant 0 : i32
        %dma_wait3A_329 = tpu.memref_slice %arg8[%mul3A_139, %dma_wait3A_328] : memref<12x120xi32, #tpu.memory_space<vmem>> -> memref<6x120xi32, #tpu.memory_space<vmem>>
        %dma_wait3A_330 = arith.constant 0 : i32
        %dma_wait3A_331 = arith.constant 0 : i32
        %dma_wait3A_332 = tpu.memref_slice %arg3[%arg0, %arg1, %scan3A_126, %dma_wait3A_330, %dma_wait3A_331] : memref<2x16x14x6x120xi32, #tpu.memory_space<hbm>> -> memref<1x1x1x6x120xi32, #tpu.memory_space<hbm>>
        %dma_wait3A_333 = tpu.memref_squeeze %dma_wait3A_332 : memref<1x1x1x6x120xi32, #tpu.memory_space<hbm>> -> memref<6x120xi32, #tpu.memory_space<hbm>>
        tpu.wait_dma2 semaphore(%run_scoped3A : memref<!tpu.dma_semaphore, #tpu.memory_space<semaphore_mem>>) src(%dma_wait3A_333 : memref<6x120xi32, #tpu.memory_space<hbm>>) dst(%dma_wait3A_329 : memref<6x120xi32, #tpu.memory_space<vmem>>)
        tpu.yield
      }) : () -> ()
      %mul3A_140 = arith.constant 6 : i32
      %mul3A_141 = arith.muli %scan3A_126, %mul3A_140 : i32
      %add3A_142 = arith.constant 0 : i32
      %add3A_143 = arith.addi %mul3A_4, %add3A_142 : i32
      %dma_wait3A_144 = arith.constant 0 : i32
      %dma_wait3A_145 = tpu.memref_slice %arg6[%add3A_143, %dma_wait3A_144] : memref<322816x128xf32, #tpu.memory_space<hbm>> -> memref<120x128xf32, #tpu.memory_space<hbm>>
      %dma_wait3A_146 = arith.constant 0 : i32
      %dma_wait3A_147 = tpu.memref_slice %arg6[%add3A_143, %dma_wait3A_146] : memref<322816x128xf32, #tpu.memory_space<hbm>> -> memref<120x128xf32, #tpu.memory_space<hbm>>
      tpu.wait_dma2 semaphore(%arg15 : memref<!tpu.dma_semaphore, #tpu.memory_space<semaphore_mem>>) src(%arg9 : memref<120x128xf32, #tpu.memory_space<vmem>>) dst(%dma_wait3A_147 : memref<120x128xf32, #tpu.memory_space<hbm>>)
      %add3A_148 = arith.constant 0 : i32
      %add3A_149 = arith.addi %mul3A_139, %add3A_148 : i32
      %dma_start3A_150 = arith.constant 0 : i32
      %dma_start3A_151 = tpu.memref_slice %arg8[%add3A_149, %dma_start3A_150] : memref<12x120xi32, #tpu.memory_space<vmem>> -> memref<1x120xi32, #tpu.memory_space<vmem>>
      %dma_start3A_152 = tpu.memref_squeeze %dma_start3A_151 : memref<1x120xi32, #tpu.memory_space<vmem>> -> memref<120xi32, #tpu.memory_space<vmem>>
      %dma_start3A_153 = arith.constant 0 : i32
      %dma_start3A_154 = arith.constant 0 : i32
      %dma_start3A_155 = tpu.memref_slice %arg7[%dma_start3A_153, %dma_start3A_154] : memref<10112x128xf32, #tpu.memory_space<vmem_shared>> -> memref<10112x128xf32, #tpu.memory_space<vmem_shared>>
      tpu.enqueue_indirect_dma source(%dma_start3A_155 : memref<10112x128xf32, #tpu.memory_space<vmem_shared>>) target(%arg9 : memref<120x128xf32, #tpu.memory_space<vmem>>) offsets(%dma_start3A_152 : memref<120xi32, #tpu.memory_space<vmem>>) semaphore(%arg12 : memref<!tpu.dma_semaphore, #tpu.memory_space<semaphore_mem>>)
      %gt3A = arith.constant 0 : i32
      %gt3A_156 = arith.cmpi sgt, %scan3A_126, %gt3A : i32
      %convert_element_type3A_157 = arith.extui %gt3A_156 : i1 to i32
      %cond3A_158 = arith.constant 0 : i32
      %cond3A_159 = arith.cmpi ne, %convert_element_type3A_157, %cond3A_158 : i32
      scf.if %cond3A_159 {
        %add3A_310 = arith.constant 0 : i32
        %add3A_311 = arith.addi %mul3A_139, %add3A_310 : i32
        %dma_wait3A_312 = arith.constant 0 : i32
        %dma_wait3A_313 = tpu.memref_slice %arg8[%add3A_311, %dma_wait3A_312] : memref<12x120xi32, #tpu.memory_space<vmem>> -> memref<1x120xi32, #tpu.memory_space<vmem>>
        %dma_wait3A_314 = tpu.memref_squeeze %dma_wait3A_313 : memref<1x120xi32, #tpu.memory_space<vmem>> -> memref<120xi32, #tpu.memory_space<vmem>>
        %dma_wait3A_315 = arith.constant 0 : i32
        %dma_wait3A_316 = arith.constant 0 : i32
        %dma_wait3A_317 = tpu.memref_slice %arg7[%dma_wait3A_315, %dma_wait3A_316] : memref<10112x128xf32, #tpu.memory_space<vmem_shared>> -> memref<10112x128xf32, #tpu.memory_space<vmem_shared>>
        tpu.wait_indirect_dma semaphore(%arg13 : memref<!tpu.dma_semaphore, #tpu.memory_space<semaphore_mem>>) src(%dma_wait3A_317 : memref<10112x128xf32, #tpu.memory_space<vmem_shared>>) dst(%arg10 : memref<120x128xf32, #tpu.memory_space<vmem>>)
        %add3A_318 = arith.constant 0 : i32
        %add3A_319 = arith.addi %mul3A_141, %add3A_318 : i32
        %sub3A_320 = arith.constant 2 : i32
        %sub3A_321 = arith.subi %add3A_319, %sub3A_320 : i32
        %mul3A_322 = arith.constant 120 : i32
        %mul3A_323 = arith.muli %sub3A_321, %mul3A_322 : i32
        %add3A_324 = arith.addi %mul3A_4, %mul3A_323 : i32
        %dma_start3A_325 = arith.constant 0 : i32
        %dma_start3A_326 = tpu.memref_slice %arg6[%add3A_324, %dma_start3A_325] : memref<322816x128xf32, #tpu.memory_space<hbm>> -> memref<120x128xf32, #tpu.memory_space<hbm>>
        %dma_start3A_327 = arith.constant 0 : i32
        %dma_start3A_328 = tpu.memref_slice %arg6[%add3A_324, %dma_start3A_327] : memref<322816x128xf32, #tpu.memory_space<hbm>> -> memref<120x128xf32, #tpu.memory_space<hbm>>
        tpu.enqueue_dma source(%arg10 : memref<120x128xf32, #tpu.memory_space<vmem>>) target(%dma_start3A_328 : memref<120x128xf32, #tpu.memory_space<hbm>>) target_semaphore(%arg16 : memref<!tpu.dma_semaphore, #tpu.memory_space<semaphore_mem>>)
      } else {
      }
      %add3A_160 = arith.constant 0 : i32
      %add3A_161 = arith.addi %mul3A_4, %add3A_160 : i32
      %dma_wait3A_162 = arith.constant 0 : i32
      %dma_wait3A_163 = tpu.memref_slice %arg6[%add3A_161, %dma_wait3A_162] : memref<322816x128xf32, #tpu.memory_space<hbm>> -> memref<120x128xf32, #tpu.memory_space<hbm>>
      %dma_wait3A_164 = arith.constant 0 : i32
      %dma_wait3A_165 = tpu.memref_slice %arg6[%add3A_161, %dma_wait3A_164] : memref<322816x128xf32, #tpu.memory_space<hbm>> -> memref<120x128xf32, #tpu.memory_space<hbm>>
      tpu.wait_dma2 semaphore(%arg16 : memref<!tpu.dma_semaphore, #tpu.memory_space<semaphore_mem>>) src(%arg10 : memref<120x128xf32, #tpu.memory_space<vmem>>) dst(%dma_wait3A_165 : memref<120x128xf32, #tpu.memory_space<hbm>>)
      %add3A_166 = arith.constant 1 : i32
      %add3A_167 = arith.addi %mul3A_139, %add3A_166 : i32
      %dma_start3A_168 = arith.constant 0 : i32
      %dma_start3A_169 = tpu.memref_slice %arg8[%add3A_167, %dma_start3A_168] : memref<12x120xi32, #tpu.memory_space<vmem>> -> memref<1x120xi32, #tpu.memory_space<vmem>>
      %dma_start3A_170 = tpu.memref_squeeze %dma_start3A_169 : memref<1x120xi32, #tpu.memory_space<vmem>> -> memref<120xi32, #tpu.memory_space<vmem>>
      %dma_start3A_171 = arith.constant 0 : i32
      %dma_start3A_172 = arith.constant 0 : i32
      %dma_start3A_173 = tpu.memref_slice %arg7[%dma_start3A_171, %dma_start3A_172] : memref<10112x128xf32, #tpu.memory_space<vmem_shared>> -> memref<10112x128xf32, #tpu.memory_space<vmem_shared>>
      tpu.enqueue_indirect_dma source(%dma_start3A_173 : memref<10112x128xf32, #tpu.memory_space<vmem_shared>>) target(%arg10 : memref<120x128xf32, #tpu.memory_space<vmem>>) offsets(%dma_start3A_170 : memref<120xi32, #tpu.memory_space<vmem>>) semaphore(%arg13 : memref<!tpu.dma_semaphore, #tpu.memory_space<semaphore_mem>>)
      %gt3A_174 = arith.constant 0 : i32
      %gt3A_175 = arith.cmpi sgt, %scan3A_126, %gt3A_174 : i32
      %convert_element_type3A_176 = arith.extui %gt3A_175 : i1 to i32
      %cond3A_177 = arith.constant 0 : i32
      %cond3A_178 = arith.cmpi ne, %convert_element_type3A_176, %cond3A_177 : i32
      scf.if %cond3A_178 {
        %add3A_310 = arith.constant 1 : i32
        %add3A_311 = arith.addi %mul3A_139, %add3A_310 : i32
        %dma_wait3A_312 = arith.constant 0 : i32
        %dma_wait3A_313 = tpu.memref_slice %arg8[%add3A_311, %dma_wait3A_312] : memref<12x120xi32, #tpu.memory_space<vmem>> -> memref<1x120xi32, #tpu.memory_space<vmem>>
        %dma_wait3A_314 = tpu.memref_squeeze %dma_wait3A_313 : memref<1x120xi32, #tpu.memory_space<vmem>> -> memref<120xi32, #tpu.memory_space<vmem>>
        %dma_wait3A_315 = arith.constant 0 : i32
        %dma_wait3A_316 = arith.constant 0 : i32
        %dma_wait3A_317 = tpu.memref_slice %arg7[%dma_wait3A_315, %dma_wait3A_316] : memref<10112x128xf32, #tpu.memory_space<vmem_shared>> -> memref<10112x128xf32, #tpu.memory_space<vmem_shared>>
        tpu.wait_indirect_dma semaphore(%arg14 : memref<!tpu.dma_semaphore, #tpu.memory_space<semaphore_mem>>) src(%dma_wait3A_317 : memref<10112x128xf32, #tpu.memory_space<vmem_shared>>) dst(%arg11 : memref<120x128xf32, #tpu.memory_space<vmem>>)
        %add3A_318 = arith.constant 1 : i32
        %add3A_319 = arith.addi %mul3A_141, %add3A_318 : i32
        %sub3A_320 = arith.constant 2 : i32
        %sub3A_321 = arith.subi %add3A_319, %sub3A_320 : i32
        %mul3A_322 = arith.constant 120 : i32
        %mul3A_323 = arith.muli %sub3A_321, %mul3A_322 : i32
        %add3A_324 = arith.addi %mul3A_4, %mul3A_323 : i32
        %dma_start3A_325 = arith.constant 0 : i32
        %dma_start3A_326 = tpu.memref_slice %arg6[%add3A_324, %dma_start3A_325] : memref<322816x128xf32, #tpu.memory_space<hbm>> -> memref<120x128xf32, #tpu.memory_space<hbm>>
        %dma_start3A_327 = arith.constant 0 : i32
        %dma_start3A_328 = tpu.memref_slice %arg6[%add3A_324, %dma_start3A_327] : memref<322816x128xf32, #tpu.memory_space<hbm>> -> memref<120x128xf32, #tpu.memory_space<hbm>>
        tpu.enqueue_dma source(%arg11 : memref<120x128xf32, #tpu.memory_space<vmem>>) target(%dma_start3A_328 : memref<120x128xf32, #tpu.memory_space<hbm>>) target_semaphore(%arg17 : memref<!tpu.dma_semaphore, #tpu.memory_space<semaphore_mem>>)
      } else {
      }
      %add3A_179 = arith.constant 0 : i32
      %add3A_180 = arith.addi %mul3A_4, %add3A_179 : i32
      %dma_wait3A_181 = arith.constant 0 : i32
      %dma_wait3A_182 = tpu.memref_slice %arg6[%add3A_180, %dma_wait3A_181] : memref<322816x128xf32, #tpu.memory_space<hbm>> -> memref<120x128xf32, #tpu.memory_space<hbm>>
      %dma_wait3A_183 = arith.constant 0 : i32
      %dma_wait3A_184 = tpu.memref_slice %arg6[%add3A_180, %dma_wait3A_183] : memref<322816x128xf32, #tpu.memory_space<hbm>> -> memref<120x128xf32, #tpu.memory_space<hbm>>
      tpu.wait_dma2 semaphore(%arg17 : memref<!tpu.dma_semaphore, #tpu.memory_space<semaphore_mem>>) src(%arg11 : memref<120x128xf32, #tpu.memory_space<vmem>>) dst(%dma_wait3A_184 : memref<120x128xf32, #tpu.memory_space<hbm>>)
      %add3A_185 = arith.constant 2 : i32
      %add3A_186 = arith.addi %mul3A_139, %add3A_185 : i32
      %dma_start3A_187 = arith.constant 0 : i32
      %dma_start3A_188 = tpu.memref_slice %arg8[%add3A_186, %dma_start3A_187] : memref<12x120xi32, #tpu.memory_space<vmem>> -> memref<1x120xi32, #tpu.memory_space<vmem>>
      %dma_start3A_189 = tpu.memref_squeeze %dma_start3A_188 : memref<1x120xi32, #tpu.memory_space<vmem>> -> memref<120xi32, #tpu.memory_space<vmem>>
      %dma_start3A_190 = arith.constant 0 : i32
      %dma_start3A_191 = arith.constant 0 : i32
      %dma_start3A_192 = tpu.memref_slice %arg7[%dma_start3A_190, %dma_start3A_191] : memref<10112x128xf32, #tpu.memory_space<vmem_shared>> -> memref<10112x128xf32, #tpu.memory_space<vmem_shared>>
      tpu.enqueue_indirect_dma source(%dma_start3A_192 : memref<10112x128xf32, #tpu.memory_space<vmem_shared>>) target(%arg11 : memref<120x128xf32, #tpu.memory_space<vmem>>) offsets(%dma_start3A_189 : memref<120xi32, #tpu.memory_space<vmem>>) semaphore(%arg14 : memref<!tpu.dma_semaphore, #tpu.memory_space<semaphore_mem>>)
      %add3A_193 = arith.constant 2 : i32
      %add3A_194 = arith.addi %mul3A_139, %add3A_193 : i32
      %dma_wait3A_195 = arith.constant 0 : i32
      %dma_wait3A_196 = tpu.memref_slice %arg8[%add3A_194, %dma_wait3A_195] : memref<12x120xi32, #tpu.memory_space<vmem>> -> memref<1x120xi32, #tpu.memory_space<vmem>>
      %dma_wait3A_197 = tpu.memref_squeeze %dma_wait3A_196 : memref<1x120xi32, #tpu.memory_space<vmem>> -> memref<120xi32, #tpu.memory_space<vmem>>
      %dma_wait3A_198 = arith.constant 0 : i32
      %dma_wait3A_199 = arith.constant 0 : i32
      %dma_wait3A_200 = tpu.memref_slice %arg7[%dma_wait3A_198, %dma_wait3A_199] : memref<10112x128xf32, #tpu.memory_space<vmem_shared>> -> memref<10112x128xf32, #tpu.memory_space<vmem_shared>>
      tpu.wait_indirect_dma semaphore(%arg12 : memref<!tpu.dma_semaphore, #tpu.memory_space<semaphore_mem>>) src(%dma_wait3A_200 : memref<10112x128xf32, #tpu.memory_space<vmem_shared>>) dst(%arg9 : memref<120x128xf32, #tpu.memory_space<vmem>>)
      %add3A_201 = arith.constant 2 : i32
      %add3A_202 = arith.addi %mul3A_141, %add3A_201 : i32
      %sub3A = arith.constant 2 : i32
      %sub3A_203 = arith.subi %add3A_202, %sub3A : i32
      %mul3A_204 = arith.constant 120 : i32
      %mul3A_205 = arith.muli %sub3A_203, %mul3A_204 : i32
      %add3A_206 = arith.addi %mul3A_4, %mul3A_205 : i32
      %dma_start3A_207 = arith.constant 0 : i32
      %dma_start3A_208 = tpu.memref_slice %arg6[%add3A_206, %dma_start3A_207] : memref<322816x128xf32, #tpu.memory_space<hbm>> -> memref<120x128xf32, #tpu.memory_space<hbm>>
      %dma_start3A_209 = arith.constant 0 : i32
      %dma_start3A_210 = tpu.memref_slice %arg6[%add3A_206, %dma_start3A_209] : memref<322816x128xf32, #tpu.memory_space<hbm>> -> memref<120x128xf32, #tpu.memory_space<hbm>>
      tpu.enqueue_dma source(%arg9 : memref<120x128xf32, #tpu.memory_space<vmem>>) target(%dma_start3A_210 : memref<120x128xf32, #tpu.memory_space<hbm>>) target_semaphore(%arg15 : memref<!tpu.dma_semaphore, #tpu.memory_space<semaphore_mem>>)
      %add3A_211 = arith.constant 0 : i32
      %add3A_212 = arith.addi %mul3A_4, %add3A_211 : i32
      %dma_wait3A_213 = arith.constant 0 : i32
      %dma_wait3A_214 = tpu.memref_slice %arg6[%add3A_212, %dma_wait3A_213] : memref<322816x128xf32, #tpu.memory_space<hbm>> -> memref<120x128xf32, #tpu.memory_space<hbm>>
      %dma_wait3A_215 = arith.constant 0 : i32
      %dma_wait3A_216 = tpu.memref_slice %arg6[%add3A_212, %dma_wait3A_215] : memref<322816x128xf32, #tpu.memory_space<hbm>> -> memref<120x128xf32, #tpu.memory_space<hbm>>
      tpu.wait_dma2 semaphore(%arg15 : memref<!tpu.dma_semaphore, #tpu.memory_space<semaphore_mem>>) src(%arg9 : memref<120x128xf32, #tpu.memory_space<vmem>>) dst(%dma_wait3A_216 : memref<120x128xf32, #tpu.memory_space<hbm>>)
      %add3A_217 = arith.constant 3 : i32
      %add3A_218 = arith.addi %mul3A_139, %add3A_217 : i32
      %dma_start3A_219 = arith.constant 0 : i32
      %dma_start3A_220 = tpu.memref_slice %arg8[%add3A_218, %dma_start3A_219] : memref<12x120xi32, #tpu.memory_space<vmem>> -> memref<1x120xi32, #tpu.memory_space<vmem>>
      %dma_start3A_221 = tpu.memref_squeeze %dma_start3A_220 : memref<1x120xi32, #tpu.memory_space<vmem>> -> memref<120xi32, #tpu.memory_space<vmem>>
      %dma_start3A_222 = arith.constant 0 : i32
      %dma_start3A_223 = arith.constant 0 : i32
      %dma_start3A_224 = tpu.memref_slice %arg7[%dma_start3A_222, %dma_start3A_223] : memref<10112x128xf32, #tpu.memory_space<vmem_shared>> -> memref<10112x128xf32, #tpu.memory_space<vmem_shared>>
      tpu.enqueue_indirect_dma source(%dma_start3A_224 : memref<10112x128xf32, #tpu.memory_space<vmem_shared>>) target(%arg9 : memref<120x128xf32, #tpu.memory_space<vmem>>) offsets(%dma_start3A_221 : memref<120xi32, #tpu.memory_space<vmem>>) semaphore(%arg12 : memref<!tpu.dma_semaphore, #tpu.memory_space<semaphore_mem>>)
      %add3A_225 = arith.constant 3 : i32
      %add3A_226 = arith.addi %mul3A_139, %add3A_225 : i32
      %dma_wait3A_227 = arith.constant 0 : i32
      %dma_wait3A_228 = tpu.memref_slice %arg8[%add3A_226, %dma_wait3A_227] : memref<12x120xi32, #tpu.memory_space<vmem>> -> memref<1x120xi32, #tpu.memory_space<vmem>>
      %dma_wait3A_229 = tpu.memref_squeeze %dma_wait3A_228 : memref<1x120xi32, #tpu.memory_space<vmem>> -> memref<120xi32, #tpu.memory_space<vmem>>
      %dma_wait3A_230 = arith.constant 0 : i32
      %dma_wait3A_231 = arith.constant 0 : i32
      %dma_wait3A_232 = tpu.memref_slice %arg7[%dma_wait3A_230, %dma_wait3A_231] : memref<10112x128xf32, #tpu.memory_space<vmem_shared>> -> memref<10112x128xf32, #tpu.memory_space<vmem_shared>>
      tpu.wait_indirect_dma semaphore(%arg13 : memref<!tpu.dma_semaphore, #tpu.memory_space<semaphore_mem>>) src(%dma_wait3A_232 : memref<10112x128xf32, #tpu.memory_space<vmem_shared>>) dst(%arg10 : memref<120x128xf32, #tpu.memory_space<vmem>>)
      %add3A_233 = arith.constant 3 : i32
      %add3A_234 = arith.addi %mul3A_141, %add3A_233 : i32
      %sub3A_235 = arith.constant 2 : i32
      %sub3A_236 = arith.subi %add3A_234, %sub3A_235 : i32
      %mul3A_237 = arith.constant 120 : i32
      %mul3A_238 = arith.muli %sub3A_236, %mul3A_237 : i32
      %add3A_239 = arith.addi %mul3A_4, %mul3A_238 : i32
      %dma_start3A_240 = arith.constant 0 : i32
      %dma_start3A_241 = tpu.memref_slice %arg6[%add3A_239, %dma_start3A_240] : memref<322816x128xf32, #tpu.memory_space<hbm>> -> memref<120x128xf32, #tpu.memory_space<hbm>>
      %dma_start3A_242 = arith.constant 0 : i32
      %dma_start3A_243 = tpu.memref_slice %arg6[%add3A_239, %dma_start3A_242] : memref<322816x128xf32, #tpu.memory_space<hbm>> -> memref<120x128xf32, #tpu.memory_space<hbm>>
      tpu.enqueue_dma source(%arg10 : memref<120x128xf32, #tpu.memory_space<vmem>>) target(%dma_start3A_243 : memref<120x128xf32, #tpu.memory_space<hbm>>) target_semaphore(%arg16 : memref<!tpu.dma_semaphore, #tpu.memory_space<semaphore_mem>>)
      %add3A_244 = arith.constant 0 : i32
      %add3A_245 = arith.addi %mul3A_4, %add3A_244 : i32
      %dma_wait3A_246 = arith.constant 0 : i32
      %dma_wait3A_247 = tpu.memref_slice %arg6[%add3A_245, %dma_wait3A_246] : memref<322816x128xf32, #tpu.memory_space<hbm>> -> memref<120x128xf32, #tpu.memory_space<hbm>>
      %dma_wait3A_248 = arith.constant 0 : i32
      %dma_wait3A_249 = tpu.memref_slice %arg6[%add3A_245, %dma_wait3A_248] : memref<322816x128xf32, #tpu.memory_space<hbm>> -> memref<120x128xf32, #tpu.memory_space<hbm>>
      tpu.wait_dma2 semaphore(%arg16 : memref<!tpu.dma_semaphore, #tpu.memory_space<semaphore_mem>>) src(%arg10 : memref<120x128xf32, #tpu.memory_space<vmem>>) dst(%dma_wait3A_249 : memref<120x128xf32, #tpu.memory_space<hbm>>)
      %add3A_250 = arith.constant 4 : i32
      %add3A_251 = arith.addi %mul3A_139, %add3A_250 : i32
      %dma_start3A_252 = arith.constant 0 : i32
      %dma_start3A_253 = tpu.memref_slice %arg8[%add3A_251, %dma_start3A_252] : memref<12x120xi32, #tpu.memory_space<vmem>> -> memref<1x120xi32, #tpu.memory_space<vmem>>
      %dma_start3A_254 = tpu.memref_squeeze %dma_start3A_253 : memref<1x120xi32, #tpu.memory_space<vmem>> -> memref<120xi32, #tpu.memory_space<vmem>>
      %dma_start3A_255 = arith.constant 0 : i32
      %dma_start3A_256 = arith.constant 0 : i32
      %dma_start3A_257 = tpu.memref_slice %arg7[%dma_start3A_255, %dma_start3A_256] : memref<10112x128xf32, #tpu.memory_space<vmem_shared>> -> memref<10112x128xf32, #tpu.memory_space<vmem_shared>>
      tpu.enqueue_indirect_dma source(%dma_start3A_257 : memref<10112x128xf32, #tpu.memory_space<vmem_shared>>) target(%arg10 : memref<120x128xf32, #tpu.memory_space<vmem>>) offsets(%dma_start3A_254 : memref<120xi32, #tpu.memory_space<vmem>>) semaphore(%arg13 : memref<!tpu.dma_semaphore, #tpu.memory_space<semaphore_mem>>)
      %add3A_258 = arith.constant 4 : i32
      %add3A_259 = arith.addi %mul3A_139, %add3A_258 : i32
      %dma_wait3A_260 = arith.constant 0 : i32
      %dma_wait3A_261 = tpu.memref_slice %arg8[%add3A_259, %dma_wait3A_260] : memref<12x120xi32, #tpu.memory_space<vmem>> -> memref<1x120xi32, #tpu.memory_space<vmem>>
      %dma_wait3A_262 = tpu.memref_squeeze %dma_wait3A_261 : memref<1x120xi32, #tpu.memory_space<vmem>> -> memref<120xi32, #tpu.memory_space<vmem>>
      %dma_wait3A_263 = arith.constant 0 : i32
      %dma_wait3A_264 = arith.constant 0 : i32
      %dma_wait3A_265 = tpu.memref_slice %arg7[%dma_wait3A_263, %dma_wait3A_264] : memref<10112x128xf32, #tpu.memory_space<vmem_shared>> -> memref<10112x128xf32, #tpu.memory_space<vmem_shared>>
      tpu.wait_indirect_dma semaphore(%arg14 : memref<!tpu.dma_semaphore, #tpu.memory_space<semaphore_mem>>) src(%dma_wait3A_265 : memref<10112x128xf32, #tpu.memory_space<vmem_shared>>) dst(%arg11 : memref<120x128xf32, #tpu.memory_space<vmem>>)
      %add3A_266 = arith.constant 4 : i32
      %add3A_267 = arith.addi %mul3A_141, %add3A_266 : i32
      %sub3A_268 = arith.constant 2 : i32
      %sub3A_269 = arith.subi %add3A_267, %sub3A_268 : i32
      %mul3A_270 = arith.constant 120 : i32
      %mul3A_271 = arith.muli %sub3A_269, %mul3A_270 : i32
      %add3A_272 = arith.addi %mul3A_4, %mul3A_271 : i32
      %dma_start3A_273 = arith.constant 0 : i32
      %dma_start3A_274 = tpu.memref_slice %arg6[%add3A_272, %dma_start3A_273] : memref<322816x128xf32, #tpu.memory_space<hbm>> -> memref<120x128xf32, #tpu.memory_space<hbm>>
      %dma_start3A_275 = arith.constant 0 : i32
      %dma_start3A_276 = tpu.memref_slice %arg6[%add3A_272, %dma_start3A_275] : memref<322816x128xf32, #tpu.memory_space<hbm>> -> memref<120x128xf32, #tpu.memory_space<hbm>>
      tpu.enqueue_dma source(%arg11 : memref<120x128xf32, #tpu.memory_space<vmem>>) target(%dma_start3A_276 : memref<120x128xf32, #tpu.memory_space<hbm>>) target_semaphore(%arg17 : memref<!tpu.dma_semaphore, #tpu.memory_space<semaphore_mem>>)
      %add3A_277 = arith.constant 0 : i32
      %add3A_278 = arith.addi %mul3A_4, %add3A_277 : i32
      %dma_wait3A_279 = arith.constant 0 : i32
      %dma_wait3A_280 = tpu.memref_slice %arg6[%add3A_278, %dma_wait3A_279] : memref<322816x128xf32, #tpu.memory_space<hbm>> -> memref<120x128xf32, #tpu.memory_space<hbm>>
      %dma_wait3A_281 = arith.constant 0 : i32
      %dma_wait3A_282 = tpu.memref_slice %arg6[%add3A_278, %dma_wait3A_281] : memref<322816x128xf32, #tpu.memory_space<hbm>> -> memref<120x128xf32, #tpu.memory_space<hbm>>
      tpu.wait_dma2 semaphore(%arg17 : memref<!tpu.dma_semaphore, #tpu.memory_space<semaphore_mem>>) src(%arg11 : memref<120x128xf32, #tpu.memory_space<vmem>>) dst(%dma_wait3A_282 : memref<120x128xf32, #tpu.memory_space<hbm>>)
      %add3A_283 = arith.constant 5 : i32
      %add3A_284 = arith.addi %mul3A_139, %add3A_283 : i32
      %dma_start3A_285 = arith.constant 0 : i32
      %dma_start3A_286 = tpu.memref_slice %arg8[%add3A_284, %dma_start3A_285] : memref<12x120xi32, #tpu.memory_space<vmem>> -> memref<1x120xi32, #tpu.memory_space<vmem>>
      %dma_start3A_287 = tpu.memref_squeeze %dma_start3A_286 : memref<1x120xi32, #tpu.memory_space<vmem>> -> memref<120xi32, #tpu.memory_space<vmem>>
      %dma_start3A_288 = arith.constant 0 : i32
      %dma_start3A_289 = arith.constant 0 : i32
      %dma_start3A_290 = tpu.memref_slice %arg7[%dma_start3A_288, %dma_start3A_289] : memref<10112x128xf32, #tpu.memory_space<vmem_shared>> -> memref<10112x128xf32, #tpu.memory_space<vmem_shared>>
      tpu.enqueue_indirect_dma source(%dma_start3A_290 : memref<10112x128xf32, #tpu.memory_space<vmem_shared>>) target(%arg11 : memref<120x128xf32, #tpu.memory_space<vmem>>) offsets(%dma_start3A_287 : memref<120xi32, #tpu.memory_space<vmem>>) semaphore(%arg14 : memref<!tpu.dma_semaphore, #tpu.memory_space<semaphore_mem>>)
      %add3A_291 = arith.constant 5 : i32
      %add3A_292 = arith.addi %mul3A_139, %add3A_291 : i32
      %dma_wait3A_293 = arith.constant 0 : i32
      %dma_wait3A_294 = tpu.memref_slice %arg8[%add3A_292, %dma_wait3A_293] : memref<12x120xi32, #tpu.memory_space<vmem>> -> memref<1x120xi32, #tpu.memory_space<vmem>>
      %dma_wait3A_295 = tpu.memref_squeeze %dma_wait3A_294 : memref<1x120xi32, #tpu.memory_space<vmem>> -> memref<120xi32, #tpu.memory_space<vmem>>
      %dma_wait3A_296 = arith.constant 0 : i32
      %dma_wait3A_297 = arith.constant 0 : i32
      %dma_wait3A_298 = tpu.memref_slice %arg7[%dma_wait3A_296, %dma_wait3A_297] : memref<10112x128xf32, #tpu.memory_space<vmem_shared>> -> memref<10112x128xf32, #tpu.memory_space<vmem_shared>>
      tpu.wait_indirect_dma semaphore(%arg12 : memref<!tpu.dma_semaphore, #tpu.memory_space<semaphore_mem>>) src(%dma_wait3A_298 : memref<10112x128xf32, #tpu.memory_space<vmem_shared>>) dst(%arg9 : memref<120x128xf32, #tpu.memory_space<vmem>>)
      %add3A_299 = arith.constant 5 : i32
      %add3A_300 = arith.addi %mul3A_141, %add3A_299 : i32
      %sub3A_301 = arith.constant 2 : i32
      %sub3A_302 = arith.subi %add3A_300, %sub3A_301 : i32
      %mul3A_303 = arith.constant 120 : i32
      %mul3A_304 = arith.muli %sub3A_302, %mul3A_303 : i32
      %add3A_305 = arith.addi %mul3A_4, %mul3A_304 : i32
      %dma_start3A_306 = arith.constant 0 : i32
      %dma_start3A_307 = tpu.memref_slice %arg6[%add3A_305, %dma_start3A_306] : memref<322816x128xf32, #tpu.memory_space<hbm>> -> memref<120x128xf32, #tpu.memory_space<hbm>>
      %dma_start3A_308 = arith.constant 0 : i32
      %dma_start3A_309 = tpu.memref_slice %arg6[%add3A_305, %dma_start3A_308] : memref<322816x128xf32, #tpu.memory_space<hbm>> -> memref<120x128xf32, #tpu.memory_space<hbm>>
      tpu.enqueue_dma source(%arg9 : memref<120x128xf32, #tpu.memory_space<vmem>>) target(%dma_start3A_309 : memref<120x128xf32, #tpu.memory_space<hbm>>) target_semaphore(%arg15 : memref<!tpu.dma_semaphore, #tpu.memory_space<semaphore_mem>>)
    }
    %scan3A_32 = arith.constant 14 : i32
    %add3A_33 = arith.constant 0 : i32
    %add3A_34 = arith.addi %mul3A_4, %add3A_33 : i32
    %dma_wait3A = arith.constant 0 : i32
    %dma_wait3A_35 = tpu.memref_slice %arg6[%add3A_34, %dma_wait3A] : memref<322816x128xf32, #tpu.memory_space<hbm>> -> memref<120x128xf32, #tpu.memory_space<hbm>>
    %dma_wait3A_36 = arith.constant 0 : i32
    %dma_wait3A_37 = tpu.memref_slice %arg6[%add3A_34, %dma_wait3A_36] : memref<322816x128xf32, #tpu.memory_space<hbm>> -> memref<120x128xf32, #tpu.memory_space<hbm>>
    tpu.wait_dma2 semaphore(%arg13 : memref<!tpu.dma_semaphore, #tpu.memory_space<semaphore_mem>>) src(%arg10 : memref<120x128xf32, #tpu.memory_space<vmem>>) dst(%dma_wait3A_37 : memref<120x128xf32, #tpu.memory_space<hbm>>)
    %add3A_38 = arith.constant 9840 : i32
    %add3A_39 = arith.addi %mul3A_4, %add3A_38 : i32
    %dma_start3A_40 = arith.constant 0 : i32
    %dma_start3A_41 = tpu.memref_slice %arg6[%add3A_39, %dma_start3A_40] : memref<322816x128xf32, #tpu.memory_space<hbm>> -> memref<120x128xf32, #tpu.memory_space<hbm>>
    %dma_start3A_42 = arith.constant 0 : i32
    %dma_start3A_43 = tpu.memref_slice %arg6[%add3A_39, %dma_start3A_42] : memref<322816x128xf32, #tpu.memory_space<hbm>> -> memref<120x128xf32, #tpu.memory_space<hbm>>
    tpu.enqueue_dma source(%arg10 : memref<120x128xf32, #tpu.memory_space<vmem>>) target(%dma_start3A_43 : memref<120x128xf32, #tpu.memory_space<hbm>>) target_semaphore(%arg16 : memref<!tpu.dma_semaphore, #tpu.memory_space<semaphore_mem>>)
    %add3A_44 = arith.constant 0 : i32
    %add3A_45 = arith.addi %mul3A_4, %add3A_44 : i32
    %dma_wait3A_46 = arith.constant 0 : i32
    %dma_wait3A_47 = tpu.memref_slice %arg6[%add3A_45, %dma_wait3A_46] : memref<322816x128xf32, #tpu.memory_space<hbm>> -> memref<120x128xf32, #tpu.memory_space<hbm>>
    %dma_wait3A_48 = arith.constant 0 : i32
    %dma_wait3A_49 = tpu.memref_slice %arg6[%add3A_45, %dma_wait3A_48] : memref<322816x128xf32, #tpu.memory_space<hbm>> -> memref<120x128xf32, #tpu.memory_space<hbm>>
    tpu.wait_dma2 semaphore(%arg14 : memref<!tpu.dma_semaphore, #tpu.memory_space<semaphore_mem>>) src(%arg11 : memref<120x128xf32, #tpu.memory_space<vmem>>) dst(%dma_wait3A_49 : memref<120x128xf32, #tpu.memory_space<hbm>>)
    %add3A_50 = arith.constant 9960 : i32
    %add3A_51 = arith.addi %mul3A_4, %add3A_50 : i32
    %dma_start3A_52 = arith.constant 0 : i32
    %dma_start3A_53 = tpu.memref_slice %arg6[%add3A_51, %dma_start3A_52] : memref<322816x128xf32, #tpu.memory_space<hbm>> -> memref<120x128xf32, #tpu.memory_space<hbm>>
    %dma_start3A_54 = arith.constant 0 : i32
    %dma_start3A_55 = tpu.memref_slice %arg6[%add3A_51, %dma_start3A_54] : memref<322816x128xf32, #tpu.memory_space<hbm>> -> memref<120x128xf32, #tpu.memory_space<hbm>>
    tpu.enqueue_dma source(%arg11 : memref<120x128xf32, #tpu.memory_space<vmem>>) target(%dma_start3A_55 : memref<120x128xf32, #tpu.memory_space<hbm>>) target_semaphore(%arg17 : memref<!tpu.dma_semaphore, #tpu.memory_space<semaphore_mem>>)
    %add3A_56 = arith.constant 0 : i32
    %add3A_57 = arith.addi %mul3A_4, %add3A_56 : i32
    %dma_wait3A_58 = arith.constant 0 : i32
    %dma_wait3A_59 = tpu.memref_slice %arg6[%add3A_57, %dma_wait3A_58] : memref<322816x128xf32, #tpu.memory_space<hbm>> -> memref<120x128xf32, #tpu.memory_space<hbm>>
    %dma_wait3A_60 = arith.constant 0 : i32
    %dma_wait3A_61 = tpu.memref_slice %arg6[%add3A_57, %dma_wait3A_60] : memref<322816x128xf32, #tpu.memory_space<hbm>> -> memref<120x128xf32, #tpu.memory_space<hbm>>
    tpu.wait_dma2 semaphore(%arg15 : memref<!tpu.dma_semaphore, #tpu.memory_space<semaphore_mem>>) src(%arg9 : memref<120x128xf32, #tpu.memory_space<vmem>>) dst(%dma_wait3A_61 : memref<120x128xf32, #tpu.memory_space<hbm>>)
    %add3A_62 = arith.constant 0 : i32
    %add3A_63 = arith.addi %mul3A_4, %add3A_62 : i32
    %dma_wait3A_64 = arith.constant 0 : i32
    %dma_wait3A_65 = tpu.memref_slice %arg6[%add3A_63, %dma_wait3A_64] : memref<322816x128xf32, #tpu.memory_space<hbm>> -> memref<120x128xf32, #tpu.memory_space<hbm>>
    %dma_wait3A_66 = arith.constant 0 : i32
    %dma_wait3A_67 = tpu.memref_slice %arg6[%add3A_63, %dma_wait3A_66] : memref<322816x128xf32, #tpu.memory_space<hbm>> -> memref<120x128xf32, #tpu.memory_space<hbm>>
    tpu.wait_dma2 semaphore(%arg16 : memref<!tpu.dma_semaphore, #tpu.memory_space<semaphore_mem>>) src(%arg10 : memref<120x128xf32, #tpu.memory_space<vmem>>) dst(%dma_wait3A_67 : memref<120x128xf32, #tpu.memory_space<hbm>>)
    %add3A_68 = arith.constant 0 : i32
    %add3A_69 = arith.addi %mul3A_4, %add3A_68 : i32
    %dma_wait3A_70 = arith.constant 0 : i32
    %dma_wait3A_71 = tpu.memref_slice %arg6[%add3A_69, %dma_wait3A_70] : memref<322816x128xf32, #tpu.memory_space<hbm>> -> memref<120x128xf32, #tpu.memory_space<hbm>>
    %dma_wait3A_72 = arith.constant 0 : i32
    %dma_wait3A_73 = tpu.memref_slice %arg6[%add3A_69, %dma_wait3A_72] : memref<322816x128xf32, #tpu.memory_space<hbm>> -> memref<120x128xf32, #tpu.memory_space<hbm>>
    tpu.wait_dma2 semaphore(%arg17 : memref<!tpu.dma_semaphore, #tpu.memory_space<semaphore_mem>>) src(%arg11 : memref<120x128xf32, #tpu.memory_space<vmem>>) dst(%dma_wait3A_73 : memref<120x128xf32, #tpu.memory_space<hbm>>)
    %barrier3A_74 = arith.constant 0 : index
    tpu.barrier barrier_id(%barrier3A_74)
    %broadcast_in_dim3A = arith.constant 0.000000e+00 : f32
    %broadcast_in_dim3A_75 = vector.broadcast %broadcast_in_dim3A : f32 to vector<16xf32>
    %scan3A_76 = arith.constant 0 : i32
    %scan3A_77 = arith.constant 0 : i32
    %scan3A_78 = arith.constant 120 : i32
    %scan3A_79 = arith.addi %scan3A_77, %scan3A_78 : i32
    %scan3A_80 = arith.constant 1 : i32
    scf.for %scan3A_126 = %scan3A_77 to %scan3A_79 step %scan3A_80  : i32 {
      %swap3A = arith.index_cast %scan3A_126 : i32 to index
      %swap3A_127 = arith.constant 0 : index
      %swap3A_128 = tpu.vector_load %arg9[%swap3A, %swap3A_127] {strides = array<i32>} : memref<120x128xf32, #tpu.memory_space<vmem>>, vector<1x16xf32>,
      %swap3A_129 = vector.shape_cast %swap3A_128 : vector<1x16xf32> to vector<16xf32>
      %swap3A_130 = vector.shape_cast %broadcast_in_dim3A_75 : vector<16xf32> to vector<1x16xf32>
      tpu.vector_store %arg9[%swap3A, %swap3A_127], %swap3A_130 {strides = array<i32>} : memref<120x128xf32, #tpu.memory_space<vmem>>, vector<1x16xf32>,
      %swap3A_131 = arith.index_cast %scan3A_126 : i32 to index
      %swap3A_132 = arith.constant 16 : index
      %swap3A_133 = tpu.vector_load %arg9[%swap3A_131, %swap3A_132] {strides = array<i32>} : memref<120x128xf32, #tpu.memory_space<vmem>>, vector<1x16xf32>,
      %swap3A_134 = vector.shape_cast %swap3A_133 : vector<1x16xf32> to vector<16xf32>
      %swap3A_135 = vector.shape_cast %broadcast_in_dim3A_75 : vector<16xf32> to vector<1x16xf32>
      tpu.vector_store %arg9[%swap3A_131, %swap3A_132], %swap3A_135 {strides = array<i32>} : memref<120x128xf32, #tpu.memory_space<vmem>>, vector<1x16xf32>,
      %swap3A_136 = arith.index_cast %scan3A_126 : i32 to index
      %swap3A_137 = arith.constant 32 : index
      %swap3A_138 = tpu.vector_load %arg9[%swap3A_136, %swap3A_137] {strides = array<i32>} : memref<120x128xf32, #tpu.memory_space<vmem>>, vector<1x16xf32>,
      %swap3A_139 = vector.shape_cast %swap3A_138 : vector<1x16xf32> to vector<16xf32>
      %swap3A_140 = vector.shape_cast %broadcast_in_dim3A_75 : vector<16xf32> to vector<1x16xf32>
      tpu.vector_store %arg9[%swap3A_136, %swap3A_137], %swap3A_140 {strides = array<i32>} : memref<120x128xf32, #tpu.memory_space<vmem>>, vector<1x16xf32>,
      %swap3A_141 = arith.index_cast %scan3A_126 : i32 to index
      %swap3A_142 = arith.constant 48 : index
      %swap3A_143 = tpu.vector_load %arg9[%swap3A_141, %swap3A_142] {strides = array<i32>} : memref<120x128xf32, #tpu.memory_space<vmem>>, vector<1x16xf32>,
      %swap3A_144 = vector.shape_cast %swap3A_143 : vector<1x16xf32> to vector<16xf32>
      %swap3A_145 = vector.shape_cast %broadcast_in_dim3A_75 : vector<16xf32> to vector<1x16xf32>
      tpu.vector_store %arg9[%swap3A_141, %swap3A_142], %swap3A_145 {strides = array<i32>} : memref<120x128xf32, #tpu.memory_space<vmem>>, vector<1x16xf32>,
      %swap3A_146 = arith.index_cast %scan3A_126 : i32 to index
      %swap3A_147 = arith.constant 64 : index
      %swap3A_148 = tpu.vector_load %arg9[%swap3A_146, %swap3A_147] {strides = array<i32>} : memref<120x128xf32, #tpu.memory_space<vmem>>, vector<1x16xf32>,
      %swap3A_149 = vector.shape_cast %swap3A_148 : vector<1x16xf32> to vector<16xf32>
      %swap3A_150 = vector.shape_cast %broadcast_in_dim3A_75 : vector<16xf32> to vector<1x16xf32>
      tpu.vector_store %arg9[%swap3A_146, %swap3A_147], %swap3A_150 {strides = array<i32>} : memref<120x128xf32, #tpu.memory_space<vmem>>, vector<1x16xf32>,
      %swap3A_151 = arith.index_cast %scan3A_126 : i32 to index
      %swap3A_152 = arith.constant 80 : index
      %swap3A_153 = tpu.vector_load %arg9[%swap3A_151, %swap3A_152] {strides = array<i32>} : memref<120x128xf32, #tpu.memory_space<vmem>>, vector<1x16xf32>,
      %swap3A_154 = vector.shape_cast %swap3A_153 : vector<1x16xf32> to vector<16xf32>
      %swap3A_155 = vector.shape_cast %broadcast_in_dim3A_75 : vector<16xf32> to vector<1x16xf32>
      tpu.vector_store %arg9[%swap3A_151, %swap3A_152], %swap3A_155 {strides = array<i32>} : memref<120x128xf32, #tpu.memory_space<vmem>>, vector<1x16xf32>,
      %swap3A_156 = arith.index_cast %scan3A_126 : i32 to index
      %swap3A_157 = arith.constant 96 : index
      %swap3A_158 = tpu.vector_load %arg9[%swap3A_156, %swap3A_157] {strides = array<i32>} : memref<120x128xf32, #tpu.memory_space<vmem>>, vector<1x16xf32>,
      %swap3A_159 = vector.shape_cast %swap3A_158 : vector<1x16xf32> to vector<16xf32>
      %swap3A_160 = vector.shape_cast %broadcast_in_dim3A_75 : vector<16xf32> to vector<1x16xf32>
      tpu.vector_store %arg9[%swap3A_156, %swap3A_157], %swap3A_160 {strides = array<i32>} : memref<120x128xf32, #tpu.memory_space<vmem>>, vector<1x16xf32>,
      %swap3A_161 = arith.index_cast %scan3A_126 : i32 to index
      %swap3A_162 = arith.constant 112 : index
      %swap3A_163 = tpu.vector_load %arg9[%swap3A_161, %swap3A_162] {strides = array<i32>} : memref<120x128xf32, #tpu.memory_space<vmem>>, vector<1x16xf32>,
      %swap3A_164 = vector.shape_cast %swap3A_163 : vector<1x16xf32> to vector<16xf32>
      %swap3A_165 = vector.shape_cast %broadcast_in_dim3A_75 : vector<16xf32> to vector<1x16xf32>
      tpu.vector_store %arg9[%swap3A_161, %swap3A_162], %swap3A_165 {strides = array<i32>} : memref<120x128xf32, #tpu.memory_space<vmem>>, vector<1x16xf32>,
    }
    %scan3A_81 = arith.constant 120 : i32
    %add3A_82 = arith.constant 0 : i32
    %add3A_83 = arith.addi %mul3A_2, %add3A_82 : i32
    "tpu.region"() ({
      %run_scoped3A = tpu.sem_alloc : memref<!tpu.dma_semaphore, #tpu.memory_space<semaphore_mem>>
      %dma_start3A_126 = arith.constant 0 : i32
      %dma_start3A_127 = tpu.memref_slice %arg7[%add3A_83, %dma_start3A_126] : memref<10112x128xf32, #tpu.memory_space<vmem_shared>> -> memref<120x128xf32, #tpu.memory_space<vmem_shared>>
      %dma_start3A_128 = arith.constant 0 : i32
      %dma_start3A_129 = tpu.memref_slice %arg7[%add3A_83, %dma_start3A_128] : memref<10112x128xf32, #tpu.memory_space<vmem_shared>> -> memref<120x128xf32, #tpu.memory_space<vmem_shared>>
      tpu.enqueue_dma source(%arg9 : memref<120x128xf32, #tpu.memory_space<vmem>>) target(%dma_start3A_129 : memref<120x128xf32, #tpu.memory_space<vmem_shared>>) target_semaphore(%run_scoped3A : memref<!tpu.dma_semaphore, #tpu.memory_space<semaphore_mem>>)
      %dma_wait3A_130 = arith.constant 0 : i32
      %dma_wait3A_131 = tpu.memref_slice %arg7[%add3A_83, %dma_wait3A_130] : memref<10112x128xf32, #tpu.memory_space<vmem_shared>> -> memref<120x128xf32, #tpu.memory_space<vmem_shared>>
      %dma_wait3A_132 = arith.constant 0 : i32
      %dma_wait3A_133 = tpu.memref_slice %arg7[%add3A_83, %dma_wait3A_132] : memref<10112x128xf32, #tpu.memory_space<vmem_shared>> -> memref<120x128xf32, #tpu.memory_space<vmem_shared>>
      tpu.wait_dma2 semaphore(%run_scoped3A : memref<!tpu.dma_semaphore, #tpu.memory_space<semaphore_mem>>) src(%arg9 : memref<120x128xf32, #tpu.memory_space<vmem>>) dst(%dma_wait3A_133 : memref<120x128xf32, #tpu.memory_space<vmem_shared>>)
      tpu.yield
    }) : () -> ()
    %add3A_84 = arith.constant 120 : i32
    %add3A_85 = arith.addi %mul3A_2, %add3A_84 : i32
    "tpu.region"() ({
      %run_scoped3A = tpu.sem_alloc : memref<!tpu.dma_semaphore, #tpu.memory_space<semaphore_mem>>
      %dma_start3A_126 = arith.constant 0 : i32
      %dma_start3A_127 = tpu.memref_slice %arg7[%add3A_85, %dma_start3A_126] : memref<10112x128xf32, #tpu.memory_space<vmem_shared>> -> memref<120x128xf32, #tpu.memory_space<vmem_shared>>
      %dma_start3A_128 = arith.constant 0 : i32
      %dma_start3A_129 = tpu.memref_slice %arg7[%add3A_85, %dma_start3A_128] : memref<10112x128xf32, #tpu.memory_space<vmem_shared>> -> memref<120x128xf32, #tpu.memory_space<vmem_shared>>
      tpu.enqueue_dma source(%arg9 : memref<120x128xf32, #tpu.memory_space<vmem>>) target(%dma_start3A_129 : memref<120x128xf32, #tpu.memory_space<vmem_shared>>) target_semaphore(%run_scoped3A : memref<!tpu.dma_semaphore, #tpu.memory_space<semaphore_mem>>)
      %dma_wait3A_130 = arith.constant 0 : i32
      %dma_wait3A_131 = tpu.memref_slice %arg7[%add3A_85, %dma_wait3A_130] : memref<10112x128xf32, #tpu.memory_space<vmem_shared>> -> memref<120x128xf32, #tpu.memory_space<vmem_shared>>
      %dma_wait3A_132 = arith.constant 0 : i32
      %dma_wait3A_133 = tpu.memref_slice %arg7[%add3A_85, %dma_wait3A_132] : memref<10112x128xf32, #tpu.memory_space<vmem_shared>> -> memref<120x128xf32, #tpu.memory_space<vmem_shared>>
      tpu.wait_dma2 semaphore(%run_scoped3A : memref<!tpu.dma_semaphore, #tpu.memory_space<semaphore_mem>>) src(%arg9 : memref<120x128xf32, #tpu.memory_space<vmem>>) dst(%dma_wait3A_133 : memref<120x128xf32, #tpu.memory_space<vmem_shared>>)
      tpu.yield
    }) : () -> ()
    %add3A_86 = arith.constant 240 : i32
    %add3A_87 = arith.addi %mul3A_2, %add3A_86 : i32
    "tpu.region"() ({
      %run_scoped3A = tpu.sem_alloc : memref<!tpu.dma_semaphore, #tpu.memory_space<semaphore_mem>>
      %dma_start3A_126 = arith.constant 0 : i32
      %dma_start3A_127 = tpu.memref_slice %arg7[%add3A_87, %dma_start3A_126] : memref<10112x128xf32, #tpu.memory_space<vmem_shared>> -> memref<120x128xf32, #tpu.memory_space<vmem_shared>>
      %dma_start3A_128 = arith.constant 0 : i32
      %dma_start3A_129 = tpu.memref_slice %arg7[%add3A_87, %dma_start3A_128] : memref<10112x128xf32, #tpu.memory_space<vmem_shared>> -> memref<120x128xf32, #tpu.memory_space<vmem_shared>>
      tpu.enqueue_dma source(%arg9 : memref<120x128xf32, #tpu.memory_space<vmem>>) target(%dma_start3A_129 : memref<120x128xf32, #tpu.memory_space<vmem_shared>>) target_semaphore(%run_scoped3A : memref<!tpu.dma_semaphore, #tpu.memory_space<semaphore_mem>>)
      %dma_wait3A_130 = arith.constant 0 : i32
      %dma_wait3A_131 = tpu.memref_slice %arg7[%add3A_87, %dma_wait3A_130] : memref<10112x128xf32, #tpu.memory_space<vmem_shared>> -> memref<120x128xf32, #tpu.memory_space<vmem_shared>>
      %dma_wait3A_132 = arith.constant 0 : i32
      %dma_wait3A_133 = tpu.memref_slice %arg7[%add3A_87, %dma_wait3A_132] : memref<10112x128xf32, #tpu.memory_space<vmem_shared>> -> memref<120x128xf32, #tpu.memory_space<vmem_shared>>
      tpu.wait_dma2 semaphore(%run_scoped3A : memref<!tpu.dma_semaphore, #tpu.memory_space<semaphore_mem>>) src(%arg9 : memref<120x128xf32, #tpu.memory_space<vmem>>) dst(%dma_wait3A_133 : memref<120x128xf32, #tpu.memory_space<vmem_shared>>)
      tpu.yield
    }) : () -> ()
    %add3A_88 = arith.constant 360 : i32
    %add3A_89 = arith.addi %mul3A_2, %add3A_88 : i32
    "tpu.region"() ({
      %run_scoped3A = tpu.sem_alloc : memref<!tpu.dma_semaphore, #tpu.memory_space<semaphore_mem>>
      %dma_start3A_126 = arith.constant 0 : i32
      %dma_start3A_127 = tpu.memref_slice %arg7[%add3A_89, %dma_start3A_126] : memref<10112x128xf32, #tpu.memory_space<vmem_shared>> -> memref<120x128xf32, #tpu.memory_space<vmem_shared>>
      %dma_start3A_128 = arith.constant 0 : i32
      %dma_start3A_129 = tpu.memref_slice %arg7[%add3A_89, %dma_start3A_128] : memref<10112x128xf32, #tpu.memory_space<vmem_shared>> -> memref<120x128xf32, #tpu.memory_space<vmem_shared>>
      tpu.enqueue_dma source(%arg9 : memref<120x128xf32, #tpu.memory_space<vmem>>) target(%dma_start3A_129 : memref<120x128xf32, #tpu.memory_space<vmem_shared>>) target_semaphore(%run_scoped3A : memref<!tpu.dma_semaphore, #tpu.memory_space<semaphore_mem>>)
      %dma_wait3A_130 = arith.constant 0 : i32
      %dma_wait3A_131 = tpu.memref_slice %arg7[%add3A_89, %dma_wait3A_130] : memref<10112x128xf32, #tpu.memory_space<vmem_shared>> -> memref<120x128xf32, #tpu.memory_space<vmem_shared>>
      %dma_wait3A_132 = arith.constant 0 : i32
      %dma_wait3A_133 = tpu.memref_slice %arg7[%add3A_89, %dma_wait3A_132] : memref<10112x128xf32, #tpu.memory_space<vmem_shared>> -> memref<120x128xf32, #tpu.memory_space<vmem_shared>>
      tpu.wait_dma2 semaphore(%run_scoped3A : memref<!tpu.dma_semaphore, #tpu.memory_space<semaphore_mem>>) src(%arg9 : memref<120x128xf32, #tpu.memory_space<vmem>>) dst(%dma_wait3A_133 : memref<120x128xf32, #tpu.memory_space<vmem_shared>>)
      tpu.yield
    }) : () -> ()
    %add3A_90 = arith.constant 480 : i32
    %add3A_91 = arith.addi %mul3A_2, %add3A_90 : i32
    "tpu.region"() ({
      %run_scoped3A = tpu.sem_alloc : memref<!tpu.dma_semaphore, #tpu.memory_space<semaphore_mem>>
      %dma_start3A_126 = arith.constant 0 : i32
      %dma_start3A_127 = tpu.memref_slice %arg7[%add3A_91, %dma_start3A_126] : memref<10112x128xf32, #tpu.memory_space<vmem_shared>> -> memref<120x128xf32, #tpu.memory_space<vmem_shared>>
      %dma_start3A_128 = arith.constant 0 : i32
      %dma_start3A_129 = tpu.memref_slice %arg7[%add3A_91, %dma_start3A_128] : memref<10112x128xf32, #tpu.memory_space<vmem_shared>> -> memref<120x128xf32, #tpu.memory_space<vmem_shared>>
      tpu.enqueue_dma source(%arg9 : memref<120x128xf32, #tpu.memory_space<vmem>>) target(%dma_start3A_129 : memref<120x128xf32, #tpu.memory_space<vmem_shared>>) target_semaphore(%run_scoped3A : memref<!tpu.dma_semaphore, #tpu.memory_space<semaphore_mem>>)
      %dma_wait3A_130 = arith.constant 0 : i32
      %dma_wait3A_131 = tpu.memref_slice %arg7[%add3A_91, %dma_wait3A_130] : memref<10112x128xf32, #tpu.memory_space<vmem_shared>> -> memref<120x128xf32, #tpu.memory_space<vmem_shared>>
      %dma_wait3A_132 = arith.constant 0 : i32
      %dma_wait3A_133 = tpu.memref_slice %arg7[%add3A_91, %dma_wait3A_132] : memref<10112x128xf32, #tpu.memory_space<vmem_shared>> -> memref<120x128xf32, #tpu.memory_space<vmem_shared>>
      tpu.wait_dma2 semaphore(%run_scoped3A : memref<!tpu.dma_semaphore, #tpu.memory_space<semaphore_mem>>) src(%arg9 : memref<120x128xf32, #tpu.memory_space<vmem>>) dst(%dma_wait3A_133 : memref<120x128xf32, #tpu.memory_space<vmem_shared>>)
      tpu.yield
    }) : () -> ()
    %add3A_92 = arith.constant 512 : i32
    %add3A_93 = arith.addi %mul3A_2, %add3A_92 : i32
    "tpu.region"() ({
      %run_scoped3A = tpu.sem_alloc : memref<!tpu.dma_semaphore, #tpu.memory_space<semaphore_mem>>
      %dma_start3A_126 = arith.constant 0 : i32
      %dma_start3A_127 = tpu.memref_slice %arg7[%add3A_93, %dma_start3A_126] : memref<10112x128xf32, #tpu.memory_space<vmem_shared>> -> memref<120x128xf32, #tpu.memory_space<vmem_shared>>
      %dma_start3A_128 = arith.constant 0 : i32
      %dma_start3A_129 = tpu.memref_slice %arg7[%add3A_93, %dma_start3A_128] : memref<10112x128xf32, #tpu.memory_space<vmem_shared>> -> memref<120x128xf32, #tpu.memory_space<vmem_shared>>
      tpu.enqueue_dma source(%arg9 : memref<120x128xf32, #tpu.memory_space<vmem>>) target(%dma_start3A_129 : memref<120x128xf32, #tpu.memory_space<vmem_shared>>) target_semaphore(%run_scoped3A : memref<!tpu.dma_semaphore, #tpu.memory_space<semaphore_mem>>)
      %dma_wait3A_130 = arith.constant 0 : i32
      %dma_wait3A_131 = tpu.memref_slice %arg7[%add3A_93, %dma_wait3A_130] : memref<10112x128xf32, #tpu.memory_space<vmem_shared>> -> memref<120x128xf32, #tpu.memory_space<vmem_shared>>
      %dma_wait3A_132 = arith.constant 0 : i32
      %dma_wait3A_133 = tpu.memref_slice %arg7[%add3A_93, %dma_wait3A_132] : memref<10112x128xf32, #tpu.memory_space<vmem_shared>> -> memref<120x128xf32, #tpu.memory_space<vmem_shared>>
      tpu.wait_dma2 semaphore(%run_scoped3A : memref<!tpu.dma_semaphore, #tpu.memory_space<semaphore_mem>>) src(%arg9 : memref<120x128xf32, #tpu.memory_space<vmem>>) dst(%dma_wait3A_133 : memref<120x128xf32, #tpu.memory_space<vmem_shared>>)
      tpu.yield
    }) : () -> ()
    %barrier3A_94 = arith.constant 0 : index
    tpu.barrier barrier_id(%barrier3A_94)
    %add3A_95 = arith.constant 0 : i32
    %add3A_96 = arith.addi %mul3A_4, %add3A_95 : i32
    %dma_start3A_97 = arith.constant 0 : i32
    %dma_start3A_98 = tpu.memref_slice %arg6[%add3A_96, %dma_start3A_97] : memref<322816x128xf32, #tpu.memory_space<hbm>> -> memref<120x128xf32, #tpu.memory_space<hbm>>
    %dma_start3A_99 = arith.constant 0 : i32
    %dma_start3A_100 = tpu.memref_slice %arg6[%add3A_96, %dma_start3A_99] : memref<322816x128xf32, #tpu.memory_space<hbm>> -> memref<120x128xf32, #tpu.memory_space<hbm>>
    tpu.enqueue_dma source(%dma_start3A_100 : memref<120x128xf32, #tpu.memory_space<hbm>>) target(%arg9 : memref<120x128xf32, #tpu.memory_space<vmem>>) target_semaphore(%arg12 : memref<!tpu.dma_semaphore, #tpu.memory_space<semaphore_mem>>)
    %add3A_101 = arith.constant 120 : i32
    %add3A_102 = arith.addi %mul3A_4, %add3A_101 : i32
    %dma_start3A_103 = arith.constant 0 : i32
    %dma_start3A_104 = tpu.memref_slice %arg6[%add3A_102, %dma_start3A_103] : memref<322816x128xf32, #tpu.memory_space<hbm>> -> memref<120x128xf32, #tpu.memory_space<hbm>>
    %dma_start3A_105 = arith.constant 0 : i32
    %dma_start3A_106 = tpu.memref_slice %arg6[%add3A_102, %dma_start3A_105] : memref<322816x128xf32, #tpu.memory_space<hbm>> -> memref<120x128xf32, #tpu.memory_space<hbm>>
    tpu.enqueue_dma source(%dma_start3A_106 : memref<120x128xf32, #tpu.memory_space<hbm>>) target(%arg10 : memref<120x128xf32, #tpu.memory_space<vmem>>) target_semaphore(%arg13 : memref<!tpu.dma_semaphore, #tpu.memory_space<semaphore_mem>>)
    %scan3A_107 = arith.constant 0 : i32
    %scan3A_108 = arith.constant 0 : i32
    %scan3A_109 = arith.constant 14 : i32
    %scan3A_110 = arith.addi %scan3A_108, %scan3A_109 : i32
    %scan3A_111 = arith.constant 1 : i32
    scf.for %scan3A_126 = %scan3A_108 to %scan3A_110 step %scan3A_111  : i32 {
      %jit3A = arith.constant 2 : i32
      %eq3A_127 = arith.constant 0 : i32
      %eq3A_128 = arith.cmpi eq, %jit3A, %eq3A_127 : i32
      %jit3A_129 = arith.constant 1 : i32
      %select_n3A = arith.select %eq3A_128, %jit3A_129, %jit3A : i32
      %rem3A = arith.remsi %scan3A_126, %select_n3A : i32
      %ne3A = arith.constant 0 : i32
      %ne3A_130 = arith.cmpi ne, %rem3A, %ne3A : i32
      %lt3A_131 = arith.constant 0 : i32
      %lt3A_132 = arith.cmpi slt, %rem3A, %lt3A_131 : i32
      %lt3A_133 = arith.constant 0 : i32
      %lt3A_134 = arith.cmpi slt, %select_n3A, %lt3A_133 : i32
      %ne3A_135 = arith.xori %lt3A_132, %lt3A_134 : i1
      %and3A = arith.andi %ne3A_135, %ne3A_130 : i1
      %add3A_136 = arith.addi %rem3A, %select_n3A : i32
      %select_n3A_137 = arith.select %and3A, %add3A_136, %rem3A : i32
      %mul3A_138 = arith.constant 6 : i32
      %mul3A_139 = arith.muli %select_n3A_137, %mul3A_138 : i32
      "tpu.region"() ({
        %run_scoped3A = tpu.sem_alloc : memref<!tpu.dma_semaphore, #tpu.memory_space<semaphore_mem>>
        %dma_start3A_274 = arith.constant 0 : i32
        %dma_start3A_275 = tpu.memref_slice %arg8[%mul3A_139, %dma_start3A_274] : memref<12x120xi32, #tpu.memory_space<vmem>> -> memref<6x120xi32, #tpu.memory_space<vmem>>
        %dma_start3A_276 = arith.constant 0 : i32
        %dma_start3A_277 = arith.constant 0 : i32
        %dma_start3A_278 = tpu.memref_slice %arg4[%arg0, %arg1, %scan3A_126, %dma_start3A_276, %dma_start3A_277] : memref<2x16x14x6x120xi32, #tpu.memory_space<hbm>> -> memref<1x1x1x6x120xi32, #tpu.memory_space<hbm>>
        %dma_start3A_279 = tpu.memref_squeeze %dma_start3A_278 : memref<1x1x1x6x120xi32, #tpu.memory_space<hbm>> -> memref<6x120xi32, #tpu.memory_space<hbm>>
        %dma_start3A_280 = arith.constant 0 : i32
        %dma_start3A_281 = tpu.memref_slice %arg8[%mul3A_139, %dma_start3A_280] : memref<12x120xi32, #tpu.memory_space<vmem>> -> memref<6x120xi32, #tpu.memory_space<vmem>>
        %dma_start3A_282 = arith.constant 0 : i32
        %dma_start3A_283 = arith.constant 0 : i32
        %dma_start3A_284 = tpu.memref_slice %arg4[%arg0, %arg1, %scan3A_126, %dma_start3A_282, %dma_start3A_283] : memref<2x16x14x6x120xi32, #tpu.memory_space<hbm>> -> memref<1x1x1x6x120xi32, #tpu.memory_space<hbm>>
        %dma_start3A_285 = tpu.memref_squeeze %dma_start3A_284 : memref<1x1x1x6x120xi32, #tpu.memory_space<hbm>> -> memref<6x120xi32, #tpu.memory_space<hbm>>
        tpu.enqueue_dma source(%dma_start3A_285 : memref<6x120xi32, #tpu.memory_space<hbm>>) target(%dma_start3A_281 : memref<6x120xi32, #tpu.memory_space<vmem>>) target_semaphore(%run_scoped3A : memref<!tpu.dma_semaphore, #tpu.memory_space<semaphore_mem>>)
        %dma_wait3A_286 = arith.constant 0 : i32
        %dma_wait3A_287 = tpu.memref_slice %arg8[%mul3A_139, %dma_wait3A_286] : memref<12x120xi32, #tpu.memory_space<vmem>> -> memref<6x120xi32, #tpu.memory_space<vmem>>
        %dma_wait3A_288 = arith.constant 0 : i32
        %dma_wait3A_289 = arith.constant 0 : i32
        %dma_wait3A_290 = tpu.memref_slice %arg4[%arg0, %arg1, %scan3A_126, %dma_wait3A_288, %dma_wait3A_289] : memref<2x16x14x6x120xi32, #tpu.memory_space<hbm>> -> memref<1x1x1x6x120xi32, #tpu.memory_space<hbm>>
        %dma_wait3A_291 = tpu.memref_squeeze %dma_wait3A_290 : memref<1x1x1x6x120xi32, #tpu.memory_space<hbm>> -> memref<6x120xi32, #tpu.memory_space<hbm>>
        %dma_wait3A_292 = arith.constant 0 : i32
        %dma_wait3A_293 = tpu.memref_slice %arg8[%mul3A_139, %dma_wait3A_292] : memref<12x120xi32, #tpu.memory_space<vmem>> -> memref<6x120xi32, #tpu.memory_space<vmem>>
        %dma_wait3A_294 = arith.constant 0 : i32
        %dma_wait3A_295 = arith.constant 0 : i32
        %dma_wait3A_296 = tpu.memref_slice %arg4[%arg0, %arg1, %scan3A_126, %dma_wait3A_294, %dma_wait3A_295] : memref<2x16x14x6x120xi32, #tpu.memory_space<hbm>> -> memref<1x1x1x6x120xi32, #tpu.memory_space<hbm>>
        %dma_wait3A_297 = tpu.memref_squeeze %dma_wait3A_296 : memref<1x1x1x6x120xi32, #tpu.memory_space<hbm>> -> memref<6x120xi32, #tpu.memory_space<hbm>>
        tpu.wait_dma2 semaphore(%run_scoped3A : memref<!tpu.dma_semaphore, #tpu.memory_space<semaphore_mem>>) src(%dma_wait3A_297 : memref<6x120xi32, #tpu.memory_space<hbm>>) dst(%dma_wait3A_293 : memref<6x120xi32, #tpu.memory_space<vmem>>)
        tpu.yield
      }) : () -> ()
      %mul3A_140 = arith.constant 6 : i32
      %mul3A_141 = arith.muli %scan3A_126, %mul3A_140 : i32
      %add3A_142 = arith.constant 0 : i32
      %add3A_143 = arith.addi %mul3A_141, %add3A_142 : i32
      %add3A_144 = arith.constant 2 : i32
      %add3A_145 = arith.addi %add3A_143, %add3A_144 : i32
      %mul3A_146 = arith.constant 120 : i32
      %mul3A_147 = arith.muli %add3A_145, %mul3A_146 : i32
      %add3A_148 = arith.addi %mul3A_4, %mul3A_147 : i32
      %dma_start3A_149 = arith.constant 0 : i32
      %dma_start3A_150 = tpu.memref_slice %arg6[%add3A_148, %dma_start3A_149] : memref<322816x128xf32, #tpu.memory_space<hbm>> -> memref<120x128xf32, #tpu.memory_space<hbm>>
      %dma_start3A_151 = arith.constant 0 : i32
      %dma_start3A_152 = tpu.memref_slice %arg6[%add3A_148, %dma_start3A_151] : memref<322816x128xf32, #tpu.memory_space<hbm>> -> memref<120x128xf32, #tpu.memory_space<hbm>>
      tpu.enqueue_dma source(%dma_start3A_152 : memref<120x128xf32, #tpu.memory_space<hbm>>) target(%arg11 : memref<120x128xf32, #tpu.memory_space<vmem>>) target_semaphore(%arg14 : memref<!tpu.dma_semaphore, #tpu.memory_space<semaphore_mem>>)
      %add3A_153 = arith.constant 0 : i32
      %add3A_154 = arith.addi %mul3A_141, %add3A_153 : i32
      %mul3A_155 = arith.constant 120 : i32
      %mul3A_156 = arith.muli %add3A_154, %mul3A_155 : i32
      %add3A_157 = arith.addi %mul3A_4, %mul3A_156 : i32
      %dma_wait3A_158 = arith.constant 0 : i32
      %dma_wait3A_159 = tpu.memref_slice %arg6[%add3A_157, %dma_wait3A_158] : memref<322816x128xf32, #tpu.memory_space<hbm>> -> memref<120x128xf32, #tpu.memory_space<hbm>>
      %dma_wait3A_160 = arith.constant 0 : i32
      %dma_wait3A_161 = tpu.memref_slice %arg6[%add3A_157, %dma_wait3A_160] : memref<322816x128xf32, #tpu.memory_space<hbm>> -> memref<120x128xf32, #tpu.memory_space<hbm>>
      tpu.wait_dma2 semaphore(%arg12 : memref<!tpu.dma_semaphore, #tpu.memory_space<semaphore_mem>>) src(%dma_wait3A_161 : memref<120x128xf32, #tpu.memory_space<hbm>>) dst(%arg9 : memref<120x128xf32, #tpu.memory_space<vmem>>)
      %add3A_162 = arith.constant 0 : i32
      %add3A_163 = arith.addi %mul3A_139, %add3A_162 : i32
      "tpu.region"() ({
        %run_scoped3A = tpu.sem_alloc : memref<!tpu.dma_semaphore, #tpu.memory_space<semaphore_mem>>
        %dma_start3A_274 = arith.constant 0 : i32
        %dma_start3A_275 = tpu.memref_slice %arg8[%add3A_163, %dma_start3A_274] : memref<12x120xi32, #tpu.memory_space<vmem>> -> memref<1x120xi32, #tpu.memory_space<vmem>>
        %dma_start3A_276 = tpu.memref_squeeze %dma_start3A_275 : memref<1x120xi32, #tpu.memory_space<vmem>> -> memref<120xi32, #tpu.memory_space<vmem>>
        %dma_start3A_277 = arith.constant 0 : i32
        %dma_start3A_278 = arith.constant 0 : i32
        %dma_start3A_279 = tpu.memref_slice %arg7[%dma_start3A_277, %dma_start3A_278] : memref<10112x128xf32, #tpu.memory_space<vmem_shared>> -> memref<10112x128xf32, #tpu.memory_space<vmem_shared>>
        tpu.enqueue_indirect_dma source(%arg9 : memref<120x128xf32, #tpu.memory_space<vmem>>) target(%dma_start3A_279 : memref<10112x128xf32, #tpu.memory_space<vmem_shared>>) offsets(%dma_start3A_276 : memref<120xi32, #tpu.memory_space<vmem>>) semaphore(%run_scoped3A : memref<!tpu.dma_semaphore, #tpu.memory_space<semaphore_mem>>) {add = true}
        %dma_wait3A_280 = arith.constant 0 : i32
        %dma_wait3A_281 = tpu.memref_slice %arg8[%add3A_163, %dma_wait3A_280] : memref<12x120xi32, #tpu.memory_space<vmem>> -> memref<1x120xi32, #tpu.memory_space<vmem>>
        %dma_wait3A_282 = tpu.memref_squeeze %dma_wait3A_281 : memref<1x120xi32, #tpu.memory_space<vmem>> -> memref<120xi32, #tpu.memory_space<vmem>>
        %dma_wait3A_283 = arith.constant 0 : i32
        %dma_wait3A_284 = arith.constant 0 : i32
        %dma_wait3A_285 = tpu.memref_slice %arg7[%dma_wait3A_283, %dma_wait3A_284] : memref<10112x128xf32, #tpu.memory_space<vmem_shared>> -> memref<10112x128xf32, #tpu.memory_space<vmem_shared>>
        tpu.wait_indirect_dma semaphore(%run_scoped3A : memref<!tpu.dma_semaphore, #tpu.memory_space<semaphore_mem>>) src(%arg9 : memref<120x128xf32, #tpu.memory_space<vmem>>) dst(%dma_wait3A_285 : memref<10112x128xf32, #tpu.memory_space<vmem_shared>>)
        tpu.yield
      }) : () -> ()
      %add3A_164 = arith.constant 1 : i32
      %add3A_165 = arith.addi %mul3A_141, %add3A_164 : i32
      %add3A_166 = arith.constant 2 : i32
      %add3A_167 = arith.addi %add3A_165, %add3A_166 : i32
      %mul3A_168 = arith.constant 120 : i32
      %mul3A_169 = arith.muli %add3A_167, %mul3A_168 : i32
      %add3A_170 = arith.addi %mul3A_4, %mul3A_169 : i32
      %dma_start3A_171 = arith.constant 0 : i32
      %dma_start3A_172 = tpu.memref_slice %arg6[%add3A_170, %dma_start3A_171] : memref<322816x128xf32, #tpu.memory_space<hbm>> -> memref<120x128xf32, #tpu.memory_space<hbm>>
      %dma_start3A_173 = arith.constant 0 : i32
      %dma_start3A_174 = tpu.memref_slice %arg6[%add3A_170, %dma_start3A_173] : memref<322816x128xf32, #tpu.memory_space<hbm>> -> memref<120x128xf32, #tpu.memory_space<hbm>>
      tpu.enqueue_dma source(%dma_start3A_174 : memref<120x128xf32, #tpu.memory_space<hbm>>) target(%arg9 : memref<120x128xf32, #tpu.memory_space<vmem>>) target_semaphore(%arg12 : memref<!tpu.dma_semaphore, #tpu.memory_space<semaphore_mem>>)
      %add3A_175 = arith.constant 1 : i32
      %add3A_176 = arith.addi %mul3A_141, %add3A_175 : i32
      %mul3A_177 = arith.constant 120 : i32
      %mul3A_178 = arith.muli %add3A_176, %mul3A_177 : i32
      %add3A_179 = arith.addi %mul3A_4, %mul3A_178 : i32
      %dma_wait3A_180 = arith.constant 0 : i32
      %dma_wait3A_181 = tpu.memref_slice %arg6[%add3A_179, %dma_wait3A_180] : memref<322816x128xf32, #tpu.memory_space<hbm>> -> memref<120x128xf32, #tpu.memory_space<hbm>>
      %dma_wait3A_182 = arith.constant 0 : i32
      %dma_wait3A_183 = tpu.memref_slice %arg6[%add3A_179, %dma_wait3A_182] : memref<322816x128xf32, #tpu.memory_space<hbm>> -> memref<120x128xf32, #tpu.memory_space<hbm>>
      tpu.wait_dma2 semaphore(%arg13 : memref<!tpu.dma_semaphore, #tpu.memory_space<semaphore_mem>>) src(%dma_wait3A_183 : memref<120x128xf32, #tpu.memory_space<hbm>>) dst(%arg10 : memref<120x128xf32, #tpu.memory_space<vmem>>)
      %add3A_184 = arith.constant 1 : i32
      %add3A_185 = arith.addi %mul3A_139, %add3A_184 : i32
      "tpu.region"() ({
        %run_scoped3A = tpu.sem_alloc : memref<!tpu.dma_semaphore, #tpu.memory_space<semaphore_mem>>
        %dma_start3A_274 = arith.constant 0 : i32
        %dma_start3A_275 = tpu.memref_slice %arg8[%add3A_185, %dma_start3A_274] : memref<12x120xi32, #tpu.memory_space<vmem>> -> memref<1x120xi32, #tpu.memory_space<vmem>>
        %dma_start3A_276 = tpu.memref_squeeze %dma_start3A_275 : memref<1x120xi32, #tpu.memory_space<vmem>> -> memref<120xi32, #tpu.memory_space<vmem>>
        %dma_start3A_277 = arith.constant 0 : i32
        %dma_start3A_278 = arith.constant 0 : i32
        %dma_start3A_279 = tpu.memref_slice %arg7[%dma_start3A_277, %dma_start3A_278] : memref<10112x128xf32, #tpu.memory_space<vmem_shared>> -> memref<10112x128xf32, #tpu.memory_space<vmem_shared>>
        tpu.enqueue_indirect_dma source(%arg10 : memref<120x128xf32, #tpu.memory_space<vmem>>) target(%dma_start3A_279 : memref<10112x128xf32, #tpu.memory_space<vmem_shared>>) offsets(%dma_start3A_276 : memref<120xi32, #tpu.memory_space<vmem>>) semaphore(%run_scoped3A : memref<!tpu.dma_semaphore, #tpu.memory_space<semaphore_mem>>) {add = true}
        %dma_wait3A_280 = arith.constant 0 : i32
        %dma_wait3A_281 = tpu.memref_slice %arg8[%add3A_185, %dma_wait3A_280] : memref<12x120xi32, #tpu.memory_space<vmem>> -> memref<1x120xi32, #tpu.memory_space<vmem>>
        %dma_wait3A_282 = tpu.memref_squeeze %dma_wait3A_281 : memref<1x120xi32, #tpu.memory_space<vmem>> -> memref<120xi32, #tpu.memory_space<vmem>>
        %dma_wait3A_283 = arith.constant 0 : i32
        %dma_wait3A_284 = arith.constant 0 : i32
        %dma_wait3A_285 = tpu.memref_slice %arg7[%dma_wait3A_283, %dma_wait3A_284] : memref<10112x128xf32, #tpu.memory_space<vmem_shared>> -> memref<10112x128xf32, #tpu.memory_space<vmem_shared>>
        tpu.wait_indirect_dma semaphore(%run_scoped3A : memref<!tpu.dma_semaphore, #tpu.memory_space<semaphore_mem>>) src(%arg10 : memref<120x128xf32, #tpu.memory_space<vmem>>) dst(%dma_wait3A_285 : memref<10112x128xf32, #tpu.memory_space<vmem_shared>>)
        tpu.yield
      }) : () -> ()
      %add3A_186 = arith.constant 2 : i32
      %add3A_187 = arith.addi %mul3A_141, %add3A_186 : i32
      %add3A_188 = arith.constant 2 : i32
      %add3A_189 = arith.addi %add3A_187, %add3A_188 : i32
      %mul3A_190 = arith.constant 120 : i32
      %mul3A_191 = arith.muli %add3A_189, %mul3A_190 : i32
      %add3A_192 = arith.addi %mul3A_4, %mul3A_191 : i32
      %dma_start3A_193 = arith.constant 0 : i32
      %dma_start3A_194 = tpu.memref_slice %arg6[%add3A_192, %dma_start3A_193] : memref<322816x128xf32, #tpu.memory_space<hbm>> -> memref<120x128xf32, #tpu.memory_space<hbm>>
      %dma_start3A_195 = arith.constant 0 : i32
      %dma_start3A_196 = tpu.memref_slice %arg6[%add3A_192, %dma_start3A_195] : memref<322816x128xf32, #tpu.memory_space<hbm>> -> memref<120x128xf32, #tpu.memory_space<hbm>>
      tpu.enqueue_dma source(%dma_start3A_196 : memref<120x128xf32, #tpu.memory_space<hbm>>) target(%arg10 : memref<120x128xf32, #tpu.memory_space<vmem>>) target_semaphore(%arg13 : memref<!tpu.dma_semaphore, #tpu.memory_space<semaphore_mem>>)
      %add3A_197 = arith.constant 2 : i32
      %add3A_198 = arith.addi %mul3A_141, %add3A_197 : i32
      %mul3A_199 = arith.constant 120 : i32
      %mul3A_200 = arith.muli %add3A_198, %mul3A_199 : i32
      %add3A_201 = arith.addi %mul3A_4, %mul3A_200 : i32
      %dma_wait3A_202 = arith.constant 0 : i32
      %dma_wait3A_203 = tpu.memref_slice %arg6[%add3A_201, %dma_wait3A_202] : memref<322816x128xf32, #tpu.memory_space<hbm>> -> memref<120x128xf32, #tpu.memory_space<hbm>>
      %dma_wait3A_204 = arith.constant 0 : i32
      %dma_wait3A_205 = tpu.memref_slice %arg6[%add3A_201, %dma_wait3A_204] : memref<322816x128xf32, #tpu.memory_space<hbm>> -> memref<120x128xf32, #tpu.memory_space<hbm>>
      tpu.wait_dma2 semaphore(%arg14 : memref<!tpu.dma_semaphore, #tpu.memory_space<semaphore_mem>>) src(%dma_wait3A_205 : memref<120x128xf32, #tpu.memory_space<hbm>>) dst(%arg11 : memref<120x128xf32, #tpu.memory_space<vmem>>)
      %add3A_206 = arith.constant 2 : i32
      %add3A_207 = arith.addi %mul3A_139, %add3A_206 : i32
      "tpu.region"() ({
        %run_scoped3A = tpu.sem_alloc : memref<!tpu.dma_semaphore, #tpu.memory_space<semaphore_mem>>
        %dma_start3A_274 = arith.constant 0 : i32
        %dma_start3A_275 = tpu.memref_slice %arg8[%add3A_207, %dma_start3A_274] : memref<12x120xi32, #tpu.memory_space<vmem>> -> memref<1x120xi32, #tpu.memory_space<vmem>>
        %dma_start3A_276 = tpu.memref_squeeze %dma_start3A_275 : memref<1x120xi32, #tpu.memory_space<vmem>> -> memref<120xi32, #tpu.memory_space<vmem>>
        %dma_start3A_277 = arith.constant 0 : i32
        %dma_start3A_278 = arith.constant 0 : i32
        %dma_start3A_279 = tpu.memref_slice %arg7[%dma_start3A_277, %dma_start3A_278] : memref<10112x128xf32, #tpu.memory_space<vmem_shared>> -> memref<10112x128xf32, #tpu.memory_space<vmem_shared>>
        tpu.enqueue_indirect_dma source(%arg11 : memref<120x128xf32, #tpu.memory_space<vmem>>) target(%dma_start3A_279 : memref<10112x128xf32, #tpu.memory_space<vmem_shared>>) offsets(%dma_start3A_276 : memref<120xi32, #tpu.memory_space<vmem>>) semaphore(%run_scoped3A : memref<!tpu.dma_semaphore, #tpu.memory_space<semaphore_mem>>) {add = true}
        %dma_wait3A_280 = arith.constant 0 : i32
        %dma_wait3A_281 = tpu.memref_slice %arg8[%add3A_207, %dma_wait3A_280] : memref<12x120xi32, #tpu.memory_space<vmem>> -> memref<1x120xi32, #tpu.memory_space<vmem>>
        %dma_wait3A_282 = tpu.memref_squeeze %dma_wait3A_281 : memref<1x120xi32, #tpu.memory_space<vmem>> -> memref<120xi32, #tpu.memory_space<vmem>>
        %dma_wait3A_283 = arith.constant 0 : i32
        %dma_wait3A_284 = arith.constant 0 : i32
        %dma_wait3A_285 = tpu.memref_slice %arg7[%dma_wait3A_283, %dma_wait3A_284] : memref<10112x128xf32, #tpu.memory_space<vmem_shared>> -> memref<10112x128xf32, #tpu.memory_space<vmem_shared>>
        tpu.wait_indirect_dma semaphore(%run_scoped3A : memref<!tpu.dma_semaphore, #tpu.memory_space<semaphore_mem>>) src(%arg11 : memref<120x128xf32, #tpu.memory_space<vmem>>) dst(%dma_wait3A_285 : memref<10112x128xf32, #tpu.memory_space<vmem_shared>>)
        tpu.yield
      }) : () -> ()
      %add3A_208 = arith.constant 3 : i32
      %add3A_209 = arith.addi %mul3A_141, %add3A_208 : i32
      %add3A_210 = arith.constant 2 : i32
      %add3A_211 = arith.addi %add3A_209, %add3A_210 : i32
      %mul3A_212 = arith.constant 120 : i32
      %mul3A_213 = arith.muli %add3A_211, %mul3A_212 : i32
      %add3A_214 = arith.addi %mul3A_4, %mul3A_213 : i32
      %dma_start3A_215 = arith.constant 0 : i32
      %dma_start3A_216 = tpu.memref_slice %arg6[%add3A_214, %dma_start3A_215] : memref<322816x128xf32, #tpu.memory_space<hbm>> -> memref<120x128xf32, #tpu.memory_space<hbm>>
      %dma_start3A_217 = arith.constant 0 : i32
      %dma_start3A_218 = tpu.memref_slice %arg6[%add3A_214, %dma_start3A_217] : memref<322816x128xf32, #tpu.memory_space<hbm>> -> memref<120x128xf32, #tpu.memory_space<hbm>>
      tpu.enqueue_dma source(%dma_start3A_218 : memref<120x128xf32, #tpu.memory_space<hbm>>) target(%arg11 : memref<120x128xf32, #tpu.memory_space<vmem>>) target_semaphore(%arg14 : memref<!tpu.dma_semaphore, #tpu.memory_space<semaphore_mem>>)
      %add3A_219 = arith.constant 3 : i32
      %add3A_220 = arith.addi %mul3A_141, %add3A_219 : i32
      %mul3A_221 = arith.constant 120 : i32
      %mul3A_222 = arith.muli %add3A_220, %mul3A_221 : i32
      %add3A_223 = arith.addi %mul3A_4, %mul3A_222 : i32
      %dma_wait3A_224 = arith.constant 0 : i32
      %dma_wait3A_225 = tpu.memref_slice %arg6[%add3A_223, %dma_wait3A_224] : memref<322816x128xf32, #tpu.memory_space<hbm>> -> memref<120x128xf32, #tpu.memory_space<hbm>>
      %dma_wait3A_226 = arith.constant 0 : i32
      %dma_wait3A_227 = tpu.memref_slice %arg6[%add3A_223, %dma_wait3A_226] : memref<322816x128xf32, #tpu.memory_space<hbm>> -> memref<120x128xf32, #tpu.memory_space<hbm>>
      tpu.wait_dma2 semaphore(%arg12 : memref<!tpu.dma_semaphore, #tpu.memory_space<semaphore_mem>>) src(%dma_wait3A_227 : memref<120x128xf32, #tpu.memory_space<hbm>>) dst(%arg9 : memref<120x128xf32, #tpu.memory_space<vmem>>)
      %add3A_228 = arith.constant 3 : i32
      %add3A_229 = arith.addi %mul3A_139, %add3A_228 : i32
      "tpu.region"() ({
        %run_scoped3A = tpu.sem_alloc : memref<!tpu.dma_semaphore, #tpu.memory_space<semaphore_mem>>
        %dma_start3A_274 = arith.constant 0 : i32
        %dma_start3A_275 = tpu.memref_slice %arg8[%add3A_229, %dma_start3A_274] : memref<12x120xi32, #tpu.memory_space<vmem>> -> memref<1x120xi32, #tpu.memory_space<vmem>>
        %dma_start3A_276 = tpu.memref_squeeze %dma_start3A_275 : memref<1x120xi32, #tpu.memory_space<vmem>> -> memref<120xi32, #tpu.memory_space<vmem>>
        %dma_start3A_277 = arith.constant 0 : i32
        %dma_start3A_278 = arith.constant 0 : i32
        %dma_start3A_279 = tpu.memref_slice %arg7[%dma_start3A_277, %dma_start3A_278] : memref<10112x128xf32, #tpu.memory_space<vmem_shared>> -> memref<10112x128xf32, #tpu.memory_space<vmem_shared>>
        tpu.enqueue_indirect_dma source(%arg9 : memref<120x128xf32, #tpu.memory_space<vmem>>) target(%dma_start3A_279 : memref<10112x128xf32, #tpu.memory_space<vmem_shared>>) offsets(%dma_start3A_276 : memref<120xi32, #tpu.memory_space<vmem>>) semaphore(%run_scoped3A : memref<!tpu.dma_semaphore, #tpu.memory_space<semaphore_mem>>) {add = true}
        %dma_wait3A_280 = arith.constant 0 : i32
        %dma_wait3A_281 = tpu.memref_slice %arg8[%add3A_229, %dma_wait3A_280] : memref<12x120xi32, #tpu.memory_space<vmem>> -> memref<1x120xi32, #tpu.memory_space<vmem>>
        %dma_wait3A_282 = tpu.memref_squeeze %dma_wait3A_281 : memref<1x120xi32, #tpu.memory_space<vmem>> -> memref<120xi32, #tpu.memory_space<vmem>>
        %dma_wait3A_283 = arith.constant 0 : i32
        %dma_wait3A_284 = arith.constant 0 : i32
        %dma_wait3A_285 = tpu.memref_slice %arg7[%dma_wait3A_283, %dma_wait3A_284] : memref<10112x128xf32, #tpu.memory_space<vmem_shared>> -> memref<10112x128xf32, #tpu.memory_space<vmem_shared>>
        tpu.wait_indirect_dma semaphore(%run_scoped3A : memref<!tpu.dma_semaphore, #tpu.memory_space<semaphore_mem>>) src(%arg9 : memref<120x128xf32, #tpu.memory_space<vmem>>) dst(%dma_wait3A_285 : memref<10112x128xf32, #tpu.memory_space<vmem_shared>>)
        tpu.yield
      }) : () -> ()
      %add3A_230 = arith.constant 4 : i32
      %add3A_231 = arith.addi %mul3A_141, %add3A_230 : i32
      %add3A_232 = arith.constant 2 : i32
      %add3A_233 = arith.addi %add3A_231, %add3A_232 : i32
      %mul3A_234 = arith.constant 120 : i32
      %mul3A_235 = arith.muli %add3A_233, %mul3A_234 : i32
      %add3A_236 = arith.addi %mul3A_4, %mul3A_235 : i32
      %dma_start3A_237 = arith.constant 0 : i32
      %dma_start3A_238 = tpu.memref_slice %arg6[%add3A_236, %dma_start3A_237] : memref<322816x128xf32, #tpu.memory_space<hbm>> -> memref<120x128xf32, #tpu.memory_space<hbm>>
      %dma_start3A_239 = arith.constant 0 : i32
      %dma_start3A_240 = tpu.memref_slice %arg6[%add3A_236, %dma_start3A_239] : memref<322816x128xf32, #tpu.memory_space<hbm>> -> memref<120x128xf32, #tpu.memory_space<hbm>>
      tpu.enqueue_dma source(%dma_start3A_240 : memref<120x128xf32, #tpu.memory_space<hbm>>) target(%arg9 : memref<120x128xf32, #tpu.memory_space<vmem>>) target_semaphore(%arg12 : memref<!tpu.dma_semaphore, #tpu.memory_space<semaphore_mem>>)
      %add3A_241 = arith.constant 4 : i32
      %add3A_242 = arith.addi %mul3A_141, %add3A_241 : i32
      %mul3A_243 = arith.constant 120 : i32
      %mul3A_244 = arith.muli %add3A_242, %mul3A_243 : i32
      %add3A_245 = arith.addi %mul3A_4, %mul3A_244 : i32
      %dma_wait3A_246 = arith.constant 0 : i32
      %dma_wait3A_247 = tpu.memref_slice %arg6[%add3A_245, %dma_wait3A_246] : memref<322816x128xf32, #tpu.memory_space<hbm>> -> memref<120x128xf32, #tpu.memory_space<hbm>>
      %dma_wait3A_248 = arith.constant 0 : i32
      %dma_wait3A_249 = tpu.memref_slice %arg6[%add3A_245, %dma_wait3A_248] : memref<322816x128xf32, #tpu.memory_space<hbm>> -> memref<120x128xf32, #tpu.memory_space<hbm>>
      tpu.wait_dma2 semaphore(%arg13 : memref<!tpu.dma_semaphore, #tpu.memory_space<semaphore_mem>>) src(%dma_wait3A_249 : memref<120x128xf32, #tpu.memory_space<hbm>>) dst(%arg10 : memref<120x128xf32, #tpu.memory_space<vmem>>)
      %add3A_250 = arith.constant 4 : i32
      %add3A_251 = arith.addi %mul3A_139, %add3A_250 : i32
      "tpu.region"() ({
        %run_scoped3A = tpu.sem_alloc : memref<!tpu.dma_semaphore, #tpu.memory_space<semaphore_mem>>
        %dma_start3A_274 = arith.constant 0 : i32
        %dma_start3A_275 = tpu.memref_slice %arg8[%add3A_251, %dma_start3A_274] : memref<12x120xi32, #tpu.memory_space<vmem>> -> memref<1x120xi32, #tpu.memory_space<vmem>>
        %dma_start3A_276 = tpu.memref_squeeze %dma_start3A_275 : memref<1x120xi32, #tpu.memory_space<vmem>> -> memref<120xi32, #tpu.memory_space<vmem>>
        %dma_start3A_277 = arith.constant 0 : i32
        %dma_start3A_278 = arith.constant 0 : i32
        %dma_start3A_279 = tpu.memref_slice %arg7[%dma_start3A_277, %dma_start3A_278] : memref<10112x128xf32, #tpu.memory_space<vmem_shared>> -> memref<10112x128xf32, #tpu.memory_space<vmem_shared>>
        tpu.enqueue_indirect_dma source(%arg10 : memref<120x128xf32, #tpu.memory_space<vmem>>) target(%dma_start3A_279 : memref<10112x128xf32, #tpu.memory_space<vmem_shared>>) offsets(%dma_start3A_276 : memref<120xi32, #tpu.memory_space<vmem>>) semaphore(%run_scoped3A : memref<!tpu.dma_semaphore, #tpu.memory_space<semaphore_mem>>) {add = true}
        %dma_wait3A_280 = arith.constant 0 : i32
        %dma_wait3A_281 = tpu.memref_slice %arg8[%add3A_251, %dma_wait3A_280] : memref<12x120xi32, #tpu.memory_space<vmem>> -> memref<1x120xi32, #tpu.memory_space<vmem>>
        %dma_wait3A_282 = tpu.memref_squeeze %dma_wait3A_281 : memref<1x120xi32, #tpu.memory_space<vmem>> -> memref<120xi32, #tpu.memory_space<vmem>>
        %dma_wait3A_283 = arith.constant 0 : i32
        %dma_wait3A_284 = arith.constant 0 : i32
        %dma_wait3A_285 = tpu.memref_slice %arg7[%dma_wait3A_283, %dma_wait3A_284] : memref<10112x128xf32, #tpu.memory_space<vmem_shared>> -> memref<10112x128xf32, #tpu.memory_space<vmem_shared>>
        tpu.wait_indirect_dma semaphore(%run_scoped3A : memref<!tpu.dma_semaphore, #tpu.memory_space<semaphore_mem>>) src(%arg10 : memref<120x128xf32, #tpu.memory_space<vmem>>) dst(%dma_wait3A_285 : memref<10112x128xf32, #tpu.memory_space<vmem_shared>>)
        tpu.yield
      }) : () -> ()
      %add3A_252 = arith.constant 5 : i32
      %add3A_253 = arith.addi %mul3A_141, %add3A_252 : i32
      %add3A_254 = arith.constant 2 : i32
      %add3A_255 = arith.addi %add3A_253, %add3A_254 : i32
      %mul3A_256 = arith.constant 120 : i32
      %mul3A_257 = arith.muli %add3A_255, %mul3A_256 : i32
      %add3A_258 = arith.addi %mul3A_4, %mul3A_257 : i32
      %dma_start3A_259 = arith.constant 0 : i32
      %dma_start3A_260 = tpu.memref_slice %arg6[%add3A_258, %dma_start3A_259] : memref<322816x128xf32, #tpu.memory_space<hbm>> -> memref<120x128xf32, #tpu.memory_space<hbm>>
      %dma_start3A_261 = arith.constant 0 : i32
      %dma_start3A_262 = tpu.memref_slice %arg6[%add3A_258, %dma_start3A_261] : memref<322816x128xf32, #tpu.memory_space<hbm>> -> memref<120x128xf32, #tpu.memory_space<hbm>>
      tpu.enqueue_dma source(%dma_start3A_262 : memref<120x128xf32, #tpu.memory_space<hbm>>) target(%arg10 : memref<120x128xf32, #tpu.memory_space<vmem>>) target_semaphore(%arg13 : memref<!tpu.dma_semaphore, #tpu.memory_space<semaphore_mem>>)
      %add3A_263 = arith.constant 5 : i32
      %add3A_264 = arith.addi %mul3A_141, %add3A_263 : i32
      %mul3A_265 = arith.constant 120 : i32
      %mul3A_266 = arith.muli %add3A_264, %mul3A_265 : i32
      %add3A_267 = arith.addi %mul3A_4, %mul3A_266 : i32
      %dma_wait3A_268 = arith.constant 0 : i32
      %dma_wait3A_269 = tpu.memref_slice %arg6[%add3A_267, %dma_wait3A_268] : memref<322816x128xf32, #tpu.memory_space<hbm>> -> memref<120x128xf32, #tpu.memory_space<hbm>>
      %dma_wait3A_270 = arith.constant 0 : i32
      %dma_wait3A_271 = tpu.memref_slice %arg6[%add3A_267, %dma_wait3A_270] : memref<322816x128xf32, #tpu.memory_space<hbm>> -> memref<120x128xf32, #tpu.memory_space<hbm>>
      tpu.wait_dma2 semaphore(%arg14 : memref<!tpu.dma_semaphore, #tpu.memory_space<semaphore_mem>>) src(%dma_wait3A_271 : memref<120x128xf32, #tpu.memory_space<hbm>>) dst(%arg11 : memref<120x128xf32, #tpu.memory_space<vmem>>)
      %add3A_272 = arith.constant 5 : i32
      %add3A_273 = arith.addi %mul3A_139, %add3A_272 : i32
      "tpu.region"() ({
        %run_scoped3A = tpu.sem_alloc : memref<!tpu.dma_semaphore, #tpu.memory_space<semaphore_mem>>
        %dma_start3A_274 = arith.constant 0 : i32
        %dma_start3A_275 = tpu.memref_slice %arg8[%add3A_273, %dma_start3A_274] : memref<12x120xi32, #tpu.memory_space<vmem>> -> memref<1x120xi32, #tpu.memory_space<vmem>>
        %dma_start3A_276 = tpu.memref_squeeze %dma_start3A_275 : memref<1x120xi32, #tpu.memory_space<vmem>> -> memref<120xi32, #tpu.memory_space<vmem>>
        %dma_start3A_277 = arith.constant 0 : i32
        %dma_start3A_278 = arith.constant 0 : i32
        %dma_start3A_279 = tpu.memref_slice %arg7[%dma_start3A_277, %dma_start3A_278] : memref<10112x128xf32, #tpu.memory_space<vmem_shared>> -> memref<10112x128xf32, #tpu.memory_space<vmem_shared>>
        tpu.enqueue_indirect_dma source(%arg11 : memref<120x128xf32, #tpu.memory_space<vmem>>) target(%dma_start3A_279 : memref<10112x128xf32, #tpu.memory_space<vmem_shared>>) offsets(%dma_start3A_276 : memref<120xi32, #tpu.memory_space<vmem>>) semaphore(%run_scoped3A : memref<!tpu.dma_semaphore, #tpu.memory_space<semaphore_mem>>) {add = true}
        %dma_wait3A_280 = arith.constant 0 : i32
        %dma_wait3A_281 = tpu.memref_slice %arg8[%add3A_273, %dma_wait3A_280] : memref<12x120xi32, #tpu.memory_space<vmem>> -> memref<1x120xi32, #tpu.memory_space<vmem>>
        %dma_wait3A_282 = tpu.memref_squeeze %dma_wait3A_281 : memref<1x120xi32, #tpu.memory_space<vmem>> -> memref<120xi32, #tpu.memory_space<vmem>>
        %dma_wait3A_283 = arith.constant 0 : i32
        %dma_wait3A_284 = arith.constant 0 : i32
        %dma_wait3A_285 = tpu.memref_slice %arg7[%dma_wait3A_283, %dma_wait3A_284] : memref<10112x128xf32, #tpu.memory_space<vmem_shared>> -> memref<10112x128xf32, #tpu.memory_space<vmem_shared>>
        tpu.wait_indirect_dma semaphore(%run_scoped3A : memref<!tpu.dma_semaphore, #tpu.memory_space<semaphore_mem>>) src(%arg11 : memref<120x128xf32, #tpu.memory_space<vmem>>) dst(%dma_wait3A_285 : memref<10112x128xf32, #tpu.memory_space<vmem_shared>>)
        tpu.yield
      }) : () -> ()
    }
    %scan3A_112 = arith.constant 14 : i32
    %add3A_113 = arith.constant 10080 : i32
    %add3A_114 = arith.addi %mul3A_4, %add3A_113 : i32
    %dma_wait3A_115 = arith.constant 0 : i32
    %dma_wait3A_116 = tpu.memref_slice %arg6[%add3A_114, %dma_wait3A_115] : memref<322816x128xf32, #tpu.memory_space<hbm>> -> memref<120x128xf32, #tpu.memory_space<hbm>>
    %dma_wait3A_117 = arith.constant 0 : i32
    %dma_wait3A_118 = tpu.memref_slice %arg6[%add3A_114, %dma_wait3A_117] : memref<322816x128xf32, #tpu.memory_space<hbm>> -> memref<120x128xf32, #tpu.memory_space<hbm>>
    tpu.wait_dma2 semaphore(%arg12 : memref<!tpu.dma_semaphore, #tpu.memory_space<semaphore_mem>>) src(%dma_wait3A_118 : memref<120x128xf32, #tpu.memory_space<hbm>>) dst(%arg9 : memref<120x128xf32, #tpu.memory_space<vmem>>)
    %add3A_119 = arith.constant 10200 : i32
    %add3A_120 = arith.addi %mul3A_4, %add3A_119 : i32
    %dma_wait3A_121 = arith.constant 0 : i32
    %dma_wait3A_122 = tpu.memref_slice %arg6[%add3A_120, %dma_wait3A_121] : memref<322816x128xf32, #tpu.memory_space<hbm>> -> memref<120x128xf32, #tpu.memory_space<hbm>>
    %dma_wait3A_123 = arith.constant 0 : i32
    %dma_wait3A_124 = tpu.memref_slice %arg6[%add3A_120, %dma_wait3A_123] : memref<322816x128xf32, #tpu.memory_space<hbm>> -> memref<120x128xf32, #tpu.memory_space<hbm>>
    tpu.wait_dma2 semaphore(%arg13 : memref<!tpu.dma_semaphore, #tpu.memory_space<semaphore_mem>>) src(%dma_wait3A_124 : memref<120x128xf32, #tpu.memory_space<hbm>>) dst(%arg10 : memref<120x128xf32, #tpu.memory_space<vmem>>)
    %barrier3A_125 = arith.constant 0 : index
    tpu.barrier barrier_id(%barrier3A_125)
    "tpu.region"() ({
      %run_scoped3A = tpu.sem_alloc : memref<!tpu.dma_semaphore, #tpu.memory_space<semaphore_mem>>
      %dma_start3A_126 = arith.constant 0 : i32
      %dma_start3A_127 = tpu.memref_slice %arg5[%arg0, %mul3A_2, %dma_start3A_126] : memref<2x10112x128xf32, #tpu.memory_space<hbm>> -> memref<1x632x128xf32, #tpu.memory_space<hbm>>
      %dma_start3A_128 = tpu.memref_squeeze %dma_start3A_127 : memref<1x632x128xf32, #tpu.memory_space<hbm>> -> memref<632x128xf32, #tpu.memory_space<hbm>>
      %dma_start3A_129 = arith.constant 0 : i32
      %dma_start3A_130 = tpu.memref_slice %arg7[%mul3A_2, %dma_start3A_129] : memref<10112x128xf32, #tpu.memory_space<vmem_shared>> -> memref<632x128xf32, #tpu.memory_space<vmem_shared>>
      tpu.enqueue_dma source(%dma_start3A_130 : memref<632x128xf32, #tpu.memory_space<vmem_shared>>) target(%dma_start3A_128 : memref<632x128xf32, #tpu.memory_space<hbm>>) target_semaphore(%run_scoped3A : memref<!tpu.dma_semaphore, #tpu.memory_space<semaphore_mem>>)
      %dma_wait3A_131 = arith.constant 0 : i32
      %dma_wait3A_132 = tpu.memref_slice %arg5[%arg0, %mul3A_2, %dma_wait3A_131] : memref<2x10112x128xf32, #tpu.memory_space<hbm>> -> memref<1x632x128xf32, #tpu.memory_space<hbm>>
      %dma_wait3A_133 = tpu.memref_squeeze %dma_wait3A_132 : memref<1x632x128xf32, #tpu.memory_space<hbm>> -> memref<632x128xf32, #tpu.memory_space<hbm>>
      %dma_wait3A_134 = arith.constant 0 : i32
      %dma_wait3A_135 = tpu.memref_slice %arg7[%mul3A_2, %dma_wait3A_134] : memref<10112x128xf32, #tpu.memory_space<vmem_shared>> -> memref<632x128xf32, #tpu.memory_space<vmem_shared>>
      tpu.wait_dma2 semaphore(%run_scoped3A : memref<!tpu.dma_semaphore, #tpu.memory_space<semaphore_mem>>) src(%dma_wait3A_135 : memref<632x128xf32, #tpu.memory_space<vmem_shared>>) dst(%dma_wait3A_133 : memref<632x128xf32, #tpu.memory_space<hbm>>)
      tpu.yield
    }) : () -> ()
    return
  }
}

module attributes {stable_mosaic.version = 14 : i64} {
  func.func @_add_block(%arg0: i32, %arg1: memref<1x1000x128xf32, #tpu.memory_space<vmem>>, %arg2: memref<1x1000x128xf32, #tpu.memory_space<vmem>>, %arg3: memref<1000x128xf32, #tpu.memory_space<vmem>>) attributes {dimension_semantics = [#tpu.dimension_semantics<arbitrary>], iteration_bounds = array<i64: 10>, scalar_prefetch = 0 : i64, scratch_operands = 0 : i64, tpu.core_type = #tpu.core_type<tc>, window_params = [{transform_indices = @transform_0, window_bounds = array<i64: 1, 1000, 128>}, {transform_indices = @transform_1, window_bounds = array<i64: 1, 1000, 128>}, {transform_indices = @transform_2, window_bounds = array<i64: 1000, 128>}]} {
    %get3A = arith.constant 0 : index
    %get3A_0 = arith.constant 0 : index
    %get3A_1 = arith.constant 0 : index
    %get3A_2 = vector.load %arg1[%get3A, %get3A_0, %get3A_1] : memref<1x1000x128xf32, #tpu.memory_space<vmem>>, vector<1x1000x128xf32>
    %get3A_3 = vector.shape_cast %get3A_2 : vector<1x1000x128xf32> to vector<1000x128xf32>
    %get3A_4 = arith.constant 0 : index
    %get3A_5 = arith.constant 0 : index
    %get3A_6 = arith.constant 0 : index
    %get3A_7 = vector.load %arg2[%get3A_4, %get3A_5, %get3A_6] : memref<1x1000x128xf32, #tpu.memory_space<vmem>>, vector<1x1000x128xf32>
    %get3A_8 = vector.shape_cast %get3A_7 : vector<1x1000x128xf32> to vector<1000x128xf32>
    %add3A = arith.addf %get3A_3, %get3A_8 : vector<1000x128xf32>
    %swap3A = arith.constant 0 : index
    %swap3A_9 = arith.constant 0 : index
    %swap3A_10 = vector.load %arg3[%swap3A, %swap3A_9] : memref<1000x128xf32, #tpu.memory_space<vmem>>, vector<1000x128xf32>
    tpu.vector_store %arg3[%swap3A, %swap3A_9], %add3A {strides = array<i32>} : memref<1000x128xf32, #tpu.memory_space<vmem>>, vector<1000x128xf32>,
    return
  }
  func.func @transform_0(%arg0: i32) -> (i32, i32, i32) {
    %c0_i32 = arith.constant 0 : i32
    %c0_i32_0 = arith.constant 0 : i32
    %c0_i32_1 = arith.constant 0 : i32
    return %c0_i32, %arg0, %c0_i32_0 : i32, i32, i32
  }
  func.func @transform_1(%arg0: i32) -> (i32, i32, i32) {
    %c1_i32 = arith.constant 1 : i32
    %c0_i32 = arith.constant 0 : i32
    %c0_i32_0 = arith.constant 0 : i32
    return %c1_i32, %arg0, %c0_i32 : i32, i32, i32
  }
  func.func @transform_2(%arg0: i32) -> (i32, i32) {
    %c0_i32 = arith.constant 0 : i32
    %c0_i32_0 = arith.constant 0 : i32
    return %arg0, %c0_i32 : i32, i32
  }
}

</mosaic_0001>

<sc_bundles>
// kernel: kernel.4.cloned.1.call-start
scs
__scs_entry_jumppad:
0x0: {  	(pc) =	sbr.rel $0x88, $3  }
0x1: {  	(tag) =	ssettag $0x0;
	lr =	simm.s32 $0x1  }
0x2: {  	[smem:$0x3F9F] =	sst lr;
	_ =	strace $0xD0000000  }
0x3: {  	_ = 	snop  }
0x4: {  	_ = 	snop  }
0x5: {  	_ = 	snop  }
0x6: {  	_ = 	snop  }
0x7: {  	_ = 	snop  }
__scs_overlays_trampoline_lowered:
0x8: {  	[smem:$0x3FAE] =	sst s0  }
0x9: {  	[smem:$0x3FAF] =	sst s1  }
0xa: {  	[smem:$0x3FB0] =	sst s2  }
0xb: {  	[smem:$0x3FB1] =	sst s3  }
0xc: {  	[smem:$0x3FB2] =	sst s4  }
0xd: {  	[smem:$0x3FB3] =	sst s5  }
0xe: {  	[smem:$0x3FB4] =	sst s6  }
0xf: {  	[smem:$0x3FB5] =	sst s7  }
0x10: {  	[smem:$0x3FB6] =	sst s8  }
0x11: {  	[smem:$0x3FB7] =	sst s9;
	s0 =	simm.s32 @!p0 $0x0  }
0x12: {  	s1 =	sld [smem:$0x3F9D];
	s0 =	simm.s32 @p0 $0x1  }
0x13: {  	[smem:$0x3FB8] =	sst s0;
	s0 =	simm.s32 @!p1 $0x0  }
0x14: {  	s2 =	sld [smem:$0x3F9C];
	s0 =	simm.s32 @p1 $0x1  }
0x15: {  	[smem:$0x3FB9] =	sst s0;
	s0 =	simm.s32 @!p2 $0x0  }
0x16: {  	s3 =	sld [smem:$0x3FDB];
	s0 =	simm.s32 @p2 $0x1  }
0x17: {  	s4 =	simm.s32 $0x1BF5;
	[smem:$0x3FBB] =	sst s0  }
0x18: {  	s0 =	sld [smem:$0x3F9E];
	_ =	swait.ge [sflag:s4], $0x0  }
0x19: {  	s7 =	sld [smem:$0x3F9F]  }
0x1a: {  	s8 =	sadd.s32 $0xFFFFE003, lr  }
0x1b: {  	s9 =	sadd.s32 $0xFFFFFEF7, lr;
	s5 =	simm.s32 $0xFFFFFFFF;
	p2 =	slt.u32 s8, $0xFFFFF086  }
0x1c: {  	p1 =	slt.u32 s9, $0xF7A;
	s5 =	simm.s32 @!p2 $0x0  }
0x1d: {  	s5 =	simm.s32 @p1 $0x1;
	p0 =	seq.s32 s7, s2  }
0x1e: {  	s7 =	smul.u32 @!p0 $0xF7A, s2;
	p2 =	seq.s32 @!p0 s5, $0x0  }
0x1f: {  	s9 =	smul.u32 $0xF7A, s1;
	s8 =	simm.s32 @!p0 $0x1BF5;
	p2 =	por !p2, p0  }
0x20: {  	[sflag:s8] =	ssyncset.s32 @!p0 $0xFFFFF086;
	s6 =	sadd.s32 @!p0 s3, s7;
	s7 =	simm.s32 @!p0 $0x108  }
0x21: {  	s3 =	sadd.s32 s3, s9;
	s6 =	sadd.s32 @!p0 $0x88, s6;
	s7 =	simm.s32 @p2 $0x1082  }
0x22: {  	[simem:s7], [sflag:s8] =	dma.local @!p0 [hbm:s6], $0xF7A  }
0x23: {  	s9 =	sor.u32 $0xD0000000, s2;
	s6 =	simm.s32 $0x108;
	_ =	swait.ge @!p0 [sflag:s8], $0x0  }
0x24: {  	s3 =	sadd.s32 $0x88, s3;
	s6 =	simm.s32 @!p1 $0x1082;
	[sflag:s4] =	ssyncset.s32 $0xFFFFF086  }
0x25: {  	[simem:s6], [sflag:s4] =	dma.local [hbm:s3], $0xF7A  }
0x26: {  	[smem:$0x3F9F] =	sst s1;
	(tag) =	ssettag s2;
	_ =	strace s9  }
0x27: {  	s1 =	sld [smem:$0x3FAF]  }
0x28: {  	s2 =	sld [smem:$0x3FB0]  }
0x29: {  	s4 =	sld [smem:$0x3FB2]  }
0x2a: {  	p0 =	seq.s32 s5, $0x0;
	s5 =	sld [smem:$0x3FB3]  }
0x2b: {  	s6 =	sld [smem:$0x3FB4]  }
0x2c: {  	s7 =	sld [smem:$0x3FB5]  }
0x2d: {  	s3 =	simm.s32 $0x108;
	s8 =	sld [smem:$0x3FB6]  }
0x2e: {  	s3 =	simm.s32 @!p0 $0x1082;
	s9 =	sld [smem:$0x3FB7]  }
0x2f: {  	lr =	sadd.s32 s0, s3;
	s0 =	sld [smem:$0x3FAE]  }
0x30: {  	s3 =	sld [smem:$0x3FB1]  }
0x31: {  	[smem:$0x3FBA] =	sst s10  }
0x32: {  	s10 =	sld [smem:$0x3FB8];
	_ =	sdelay $0x3  }
0x33: {  	p0 =	seq.s32 s10, $0x1;
	s10 =	sld [smem:$0x3FBA];
	_ =	sdelay $0x3  }
0x34: {  	[smem:$0x3FBA] =	sst s10  }
0x35: {  	s10 =	sld [smem:$0x3FB9];
	_ =	sdelay $0x3  }
0x36: {  	p1 =	seq.s32 s10, $0x1;
	s10 =	sld [smem:$0x3FBA];
	_ =	sdelay $0x3  }
0x37: {  	[smem:$0x3FBA] =	sst s10  }
0x38: {  	s10 =	sld [smem:$0x3FBB]  }
0x39: {  	_ = 	snop;
	(pc) =	sbr.ind lr, $3  }
0x3a: {  	_ = 	snop  }
0x3b: {  	_ = 	snop  }
0x3c: {  	p2 =	seq.s32 s10, $0x1;
	s10 =	sld [smem:$0x3FBA]  }
0x3d: {  	_ =	shalt  }
0x3e: {  	_ =	shalt  }
0x3f: {  	_ =	shalt  }
0x40: {  	_ =	shalt  }
0x41: {  	_ =	shalt  }
0x42: {  	_ =	shalt  }
0x43: {  	_ =	shalt  }
0x44: {  	_ =	shalt  }
0x45: {  	_ =	shalt  }
0x46: {  	_ =	shalt  }
0x47: {  	_ =	shalt  }
0x48: {  	_ =	shalt  }
0x49: {  	_ =	shalt  }
0x4a: {  	_ =	shalt  }
0x4b: {  	_ =	shalt  }
0x4c: {  	_ =	shalt  }
0x4d: {  	_ =	shalt  }
0x4e: {  	_ =	shalt  }
0x4f: {  	_ =	shalt  }
0x50: {  	_ =	shalt  }
0x51: {  	_ =	shalt  }
0x52: {  	_ =	shalt  }
0x53: {  	_ =	shalt  }
0x54: {  	_ =	shalt  }
0x55: {  	_ =	shalt  }
0x56: {  	_ =	shalt  }
0x57: {  	_ =	shalt  }
0x58: {  	_ =	shalt  }
0x59: {  	_ =	shalt  }
0x5a: {  	_ =	shalt  }
0x5b: {  	_ =	shalt  }
0x5c: {  	_ =	shalt  }
0x5d: {  	_ =	shalt  }
0x5e: {  	_ =	shalt  }
0x5f: {  	_ =	shalt  }
0x60: {  	_ =	shalt  }
0x61: {  	_ =	shalt  }
0x62: {  	_ =	shalt  }
0x63: {  	_ =	shalt  }
0x64: {  	_ =	shalt  }
0x65: {  	_ =	shalt  }
0x66: {  	_ =	shalt  }
0x67: {  	_ =	shalt  }
0x68: {  	_ =	shalt  }
0x69: {  	_ =	shalt  }
0x6a: {  	_ =	shalt  }
0x6b: {  	_ =	shalt  }
0x6c: {  	_ =	shalt  }
0x6d: {  	_ =	shalt  }
0x6e: {  	_ =	shalt  }
0x6f: {  	_ =	shalt  }
0x70: {  	_ =	shalt  }
0x71: {  	_ =	shalt  }
0x72: {  	_ =	shalt  }
0x73: {  	_ =	shalt  }
0x74: {  	_ =	shalt  }
0x75: {  	_ =	shalt  }
0x76: {  	_ =	shalt  }
0x77: {  	_ =	shalt  }
0x78: {  	_ =	shalt  }
0x79: {  	_ =	shalt  }
0x7a: {  	_ =	shalt  }
0x7b: {  	_ =	shalt  }
0x7c: {  	_ =	shalt  }
0x7d: {  	_ =	shalt  }
0x7e: {  	_ =	shalt  }
0x7f: {  	_ =	shalt  }
0x80: {  	_ =	shalt  }
0x81: {  	_ =	shalt  }
0x82: {  	_ =	shalt  }
0x83: {  	_ =	shalt  }
0x84: {  	_ =	shalt  }
0x85: {  	_ =	shalt  }
0x86: {  	_ =	shalt  }
0x87: {  	_ =	shalt  }
.Lfunc_end0:
.L_simem_size_0:
called_computation_lowered:
.L_overlay_start_0:
0x88: {  	s2 =	sld [smem:$0x3FD9]  }
0x89: {  	s3 =	sld [smem:$0x3FFE];
	_ =	sdelay $0x1  }
0x8a: {  	s1 =	srdreg.scid  }
0x8b: {  	s0 =	sand.u32 $0x1, s1  }
0x8c: {  	s17 =	sshll.u32 s0, $0xA;
	s2 =	sadd.s32 s3, s2  }
0x8d: {  	s2 =	sadd.s32 s2, s17  }
0x8e: {  	[smem:$0x3FC6] =	sst s2  }
0x8f: {  	_ = 	snop  }
0x90: {  	s2 =	sld [smem:$0x3FC9]  }
0x91: {  	s18 =	sld [smem:$0x3FD0];
	(tm) =	ssettm $0x1  }
0x92: {  	s4 =	sld [smem:$0x3FFB];
	_ =	sdelay $0x3  }
0x93: {  	_ =	strace s4  }
0x94: {  	s4 =	sld [smem:$0x3FFC];
	_ =	sdelay $0x3  }
0x95: {  	_ =	strace s4  }
0x96: {  	s4 =	sld [smem:$0x3FFD];
	_ =	sdelay $0x3  }
0x97: {  	_ =	strace s4  }
0x98: {  	_ =	strace $0x8FFFFFFF  }
0x99: {  	s19 =	sld [smem:$0x3FDB];
	_ =	sdelay $0x1  }
0x9a: {  	s5 =	simm.s32 $_scs_section_size  }
0x9b: {  	s6 =	simm.s32 $_size__tile_overlayer_lowered;
	s7 =	simm.s32 $_tile_overlayer_lowered  }
0x9c: {  	s22 =	simm.s32 $0x1BFF;
	s21 =	sshll.u32 s7, $0x1;
	s4 =	sadd.s32 s5, s19  }
0x9d: {  	s8 =	simm.s32 $0x0;
	s20 =	sshll.u32 s6, $0x1;
	s6 =	sadd.s32 s21, s4  }
0x9e: {  	[timem:s8], [sflag:s22] =	dma.local [hbm:s6], s20  }
0x9f: {  	_ =	swait.ge [sflag:s22], s20  }
0xa0: {  	s5 =	ssub.s32 $0x0, s20;
	[sflag:s22] =	ssyncset.done $0x0  }
0xa1: {  	[sflag:s22] =	ssyncadd.s32 s5;
	_ =	sdelay $0x1  }
0xa2: {  	s23 =	simm.s32 $0x1B8B  }
0xa3: {  	_ =	swait.ge [sflag:s23], $0x1  }
0xa4: {  	[sflag:s23] =	ssyncset.done $0x0  }
0xa5: {  	s25 =	simm.s32 $0x1B8E;
	s24 =	sld [smem:$0x3FFE];
	[sflag:s23] =	ssyncadd.s32 $0xFFFFFFFF  }
0xa6: {  	s26 =	simm.s32 $execute0_lowered;
	[smem:$0x3FD2] =	sst s25  }
0xa7: {  	s6 =	sshll.u32 s26, $0x1;
	_ =	strace $0x80000046;
	[dreg:$0x1] =	wrdreg $0xFFFFFFFF  }
0xa8: {  	s28 =	simm.s32 $_size_execute0_lowered;
	s4 =	sadd.s32 s4, s6;
	[dreg:$0x0] =	wrdreg $0x0  }
0xa9: {  	s6 =	sshll.u32 s28, $0x1;
	[dreg:$0x2] =	wrdreg s4  }
0xaa: {  	[dreg:$0x3] =	wrdreg s6  }
0xab: {  	[dreg:$0x4] =	wrdreg $0xC0  }
0xac: {  	_ =	task [dreg:s8], $0x5FFFF  }
0xad: {  	[dreg:$0x1] =	wrdreg $0xFFFFFFFF  }
0xae: {  	[dreg:$0x0] =	wrdreg $0x60  }
0xaf: {  	[dreg:$0x2] =	wrdreg s2  }
0xb0: {  	[dreg:$0x3] =	wrdreg s18  }
0xb1: {  	[dreg:$0x4] =	wrdreg s24  }
0xb2: {  	[dreg:$0x5] =	wrdreg $0x0  }
0xb3: {  	[dreg:$0x6] =	wrdreg $0x9  }
0xb4: {  	_ =	task.clear_ibuf [dreg:s8], $0x7FFFF;
	_ =	strace $0x90000046  }
0xb5: {  	s29 =	simm.s32 $0x9;
	_ =	strace $0x80000048  }
0xb6: {  	_ =	swait.ge [sflag:s29], $0x1  }
0xb7: {  	[sflag:s29] =	ssyncadd.s32 $0xFFFFFFFF  }
0xb8: {  	_ =	strace $0x90000048  }
0xb9: {  	_ =	sfence  }
0xba: {  	s30 =	sld [smem:$0x0];
	_ =	sdelay $0x2  }
0xbb: {  	s31 =	sshll.u32 s1, $0xD;
	s1 =	sshrl.u32 s1, $0x2  }
0xbc: {  	s3 =	sand.u32 $0x4000, s31;
	s1 =	sadd.s32 s1, s30  }
0xbd: {  	s0 =	sor.u32 s3, s0;
	s1 =	sshll.u32 s1, $0x11  }
0xbe: {  	s0 =	sor.u32 s1, s0  }
0xbf: {  	s0 =	sadd.s32 $0x8F2B, s0  }
0xc0: {  	[sflag:s0] =	ssyncadd.remote.s32 $0x1  }
0xc1: {  	_ =	sfence.sel $0xFFFF  }
0xc2: {  	[dreg:$0x0] =	wrdreg $0xFFFFFFFF;
	(pc) =	sbr.abs _section_cstart, $3  }
0xc3: {  	[dreg:$0x1] =	wrdreg $0xFFFFFFFF  }
0xc4: {  	_ =	task.clear_ibuf [dreg:s8], $0x2FFFF;
	_ =	strace $0x9FFFFFFF  }
0xc5: {  	(tm) =	ssettm $0x7FFFFFFF  }
tec
execute0_lowered:
.L_overlay_start_1:
0x0: {  	(tag) =	ssettag $0x1  }
0x1: {  	s1 =	rddreg [dreg:$0x0]  }
0x2: {  	s7 =	rddreg [dreg:$0x1]  }
0x3: {  	s0 =	srdreg.scid;
	s17 =	stileid.u32  }
0x4: {  	s5 =	rddreg [dreg:$0x2];
	s6 =	smul.u32 $0x3800, s17  }
0x5: {  	s2 =	rddreg [dreg:$0x3];
	s3 =	simm.s32 $0x0;
	s10 =	smul.u32 $0x13C00, s17  }
0x6: {  	s28 =	simm.s32 $0x1BC00;
	s29 =	simm.s32 $0x7;
	s24 =	smul.u32 $0x4F000, s17  }
0x7: {  	s30 =	simm.s32 $0x4;
	s8 =	sand.u32 $0x1, s0;
	s15 =	smul.u32 $0x2780, s17  }
0x8: {  	s31 =	simm.s32 $0x78;
	[smem:$0x7FF] =	sst s3;
	s4 =	smul.u32 $0x38000, s8  }
0x9: {  	s18 =	sadd.s32 $0x25080, s1;
	p0 =	seq.s32 s17, $0xF;
	s9 =	smul.u32 $0x13C000, s8  }
0xa: {  	_ =	strace $0x80000047;
	s19 =	sshll.u32 s8, $0x4;
	s23 =	ssub.s32 $0x2, s8  }
0xb: {  	[dreg:$0x9] =	wrdreg s18;
	s8 =	smul.u32 $0x276000, s8;
	s21 =	sor.u32 s17, s19  }
0xc: {  	s14 =	sshrl.u32 s23, $0x1;
	s25 =	sshrl.u32 s24, $0x2;
	s16 =	sadd.s32 s1, s15  }
0xd: {  	s15 =	sadd.s32 $0x128400, s2;
	s4 =	sadd.s32 s6, s4;
	s26 =	smul.u32 $0x13B000, s21  }
0xe: {  	s20 =	sadd.s32 s10, s9;
	s11 =	sshrl.u32 s4, $0x3;
	s4 =	smul.u32 $0x2760, s21  }
0xf: {  	[dreg:$0x8] =	wrdreg s16;
	s9 =	smul.u32 $0x27600, s21;
	s0 =	sshrl.u32 @p0 s15, $0x3  }
0x10: {  	s22 =	sshrl.u32 s20, $0x3;
	[dreg:$0x18] =	wrdreg s0;
	s16 =	sadd.s32 $0x78, s4  }
0x11: {  	s13 =	sadd.s32 s22, s5;
	s20 =	sadd.s32 $0xF0, s4;
	[dreg:$0x5] =	wrdreg s16  }
0x12: {  	s22 =	sadd.s32 s25, s2;
	s25 =	sadd.s32 $0x168, s4;
	[dreg:$0x6] =	wrdreg s20  }
0x13: {  	s12 =	sadd.s32 s11, s5;
	s6 =	sadd.s32 $0x3C00, s22;
	[dreg:$0x7] =	wrdreg s25  }
0x14: {  	s5 =	sadd.s32 $0xE200, s5;
	s10 =	sadd.s32 $0x7800, s22;
	[dreg:$0xf] =	wrdreg s6  }
0x15: {  	s19 =	sshrl.u32 s26, $0x3;
	s18 =	sadd.s32 $0xF000, s22;
	[dreg:$0x10] =	wrdreg s10  }
0x16: {  	s1 =	sadd.s32 s5, s19;
	s19 =	sadd.s32 $0x10000, s22;
	[dreg:$0x12] =	wrdreg s18  }
0x17: {  	s14 =	ssub.s32 s23, s14;
	s21 =	sadd.s32 s5, s9;
	[dreg:$0x13] =	wrdreg s19  }
0x18: {  	s9 =	smul.u32 $0x27600, s17;
	s24 =	sadd.s32 $0xF00, s1;
	[dreg:$0xa] =	wrdreg s21  }
0x19: {  	s8 =	sadd.s32 s8, s5;
	s26 =	sadd.s32 $0x26700, s1;
	[dreg:$0xc] =	wrdreg s24  }
0x1a: {  	s23 =	sadd.s32 $0x780, s1;
	s1 =	sadd.s32 $0x26E80, s1;
	[dreg:$0xd] =	wrdreg s26  }
0x1b: {  	s16 =	sadd.s32 $0xB400, s22;
	s20 =	sadd.s32 $0x4FB200, s13;
	[dreg:$0xe] =	wrdreg s1  }
0x1c: {  	s25 =	sadd.s32 s11, s7;
	s7 =	simm.s32 $0x1;
	[dreg:$0x11] =	wrdreg s16  }
0x1d: {  	s11 =	simm.s32 $0x5;
	s13 =	simm.s32 $0x0;
	[dreg:$0x14] =	wrdreg s20  }
0x1e: {  	s18 =	sadd.s32 s9, s8;
	s24 =	smax.u32 s14, $0x1;
	[dreg:$0x16] =	wrdreg s25  }
0x1f: {  	s26 =	sadd.s32 $0x200, s12;
	s25 =	simm.s32 $0x14400;
	[dreg:$0xb] =	wrdreg s23  }
0x20: {  	s1 =	simm.s32 $0x6;
	s8 =	simm.s32 $0x2;
	[dreg:$0x15] =	wrdreg s24  }
0x21: {  	v0 =	vimm.f32 $0.0e+00;
	s12 =	simm.s32 $0x3;
	[dreg:$0x17] =	wrdreg s26;
	s26 =	simm.s32 $0x18000  }
.LBB2_1:
0x22: {  	s0 =	rddreg [dreg:$0x9]  }
0x23: {  	s14 =	simm.s32 @p0 $0x1FC7;
	s6 =	rddreg [dreg:$0x18]  }
0x24: {  	[spmem:s6], [sflag:s14] =	dma.local @p0 [hbm:s0], $0x2080  }
0x25: {  	s14 =	simm.s32 @p0 $0x7  }
0x26: {  	_ =	swait.ge @p0 [sflag:s14], $0x2080  }
0x27: {  	s15 =	sshll.u32 @!p0 s17, $0x6;
	[sflag:s14] =	ssyncset.done @p0 $0x0;
	s0 =	rddreg [dreg:$0x8]  }
0x28: {  	[sflag:s14] =	ssyncadd.s32 @p0 $0xFFFFDF80;
	s14 =	sor.u32 @!p0 $0x1C07, s15;
	s15 =	sshrl.u32 @!p0 s22, $0x3  }
0x29: {  	[spmem:s15], [sflag:s14] =	dma.local @!p0 [hbm:s0], $0x2780  }
0x2a: {  	s14 =	simm.s32 @!p0 $0x7  }
0x2b: {  	_ =	swait.ge @!p0 [sflag:s14], $0x2780  }
0x2c: {  	[sflag:s14] =	ssyncset.done @!p0 $0x0  }
0x2d: {  	[sflag:s14] =	ssyncadd.s32 @!p0 $0xFFFFD880  }
0x2e: {  	s24 =	sand.u32 $0x1, s3;
	[bflag:$0x0] =	sbarrier.arrive $0xFFFF  }
0x2f: {  	[hbm4b:s21+s3] =	stream.linear.scatter [tilespmem:s25], [sflag:$0x4], $0x3C00, $0x38;
	[tilespmem:$0x1F800] =	vst v63  }
0x30: {  	p1 =	seq.s32 s24, $0x1;
	s14 =	simm.s32 $0x300  }
0x31: {  	[hbm4b:s23+s3] =	stream.linear.scatter [tilespmem:s26], [sflag:$0x5], $0x3C00, $0x38;
	[tilespmem:$0x1F800] =	vst v63  }
0x32: {  	s14 =	simm.s32 @!p1 $0x0;
	s23 =	rddreg [dreg:$0xc]  }
0x33: {  	[hbm4b:s23+s3] =	stream.linear.scatter [tilespmem:s28], [sflag:$0x6], $0x3C00, $0x38;
	[tilespmem:$0x1F800] =	vst v63  }
0x34: {  	s0 =	sor.u32 $0x13C00, s14;
	s9 =	rddreg [dreg:$0x16]  }
0x35: {  	[tilespmem:s0], [sflag:$0x7] =	stream.linear.gather [hbm4b:s9+s3], $0x300, $0x38;
	[tilespmem:$0x1F800] =	vst v63  }
0x36: {  	_ =	swait.ge [sflag:s29], $0x300  }
0x37: {  	[sflag:s29] =	ssyncset.done $0x0  }
0x38: {  	[sflag:s29] =	ssyncadd.s32 $0xFFFFFD00  }
0x39: {  	_ =	swait.ge [sflag:s30], $0x3C00  }
0x3a: {  	p1 =	por $0x1, $0x1;
	[sflag:s30] =	ssyncset.done $0x0  }
0x3b: {  	s16 =	simm.s32 @p1 $0x5;
	[sflag:s30] =	ssyncadd.s32 $0xFFFFC400  }
0x3c: {  	[tilespmem:s25], [sflag:$0x1] =	stream.indirect.gather [spmem:s2], $0x80, s0, s31, $0xb8;
	[tilespmem:$0x1F800] =	vst v63  }
0x3d: {  	_ =	swait.ge @p1 [sflag:s16], $0x3C00  }
0x3e: {  	s15 =	simm.s32 @p1 $0x18000;
	s17 =	sadd.s32 @p1 $0x13C80, s14;
	[sflag:s16] =	ssyncset.done @p1 $0x0  }
0x3f: {  	s19 =	simm.s32 @p1 $0x78;
	[sflag:s16] =	ssyncadd.s32 @p1 $0xFFFFC400;
	s16 =	simm.s32 @!p1 $0x2  }
0x40: {  	[tilespmem:s15], [sflag:$0x2] =	stream.indirect.gather @p1 [spmem:s2], $0x80, s17, s19, $0xb8;
	[tilespmem:$0x1F800] =	vst v63  }
0x41: {  	s20 =	simm.s32 @!p1 $0x18000;
	_ =	swait.ge @!p1 [sflag:s16], $0x3C00  }
0x42: {  	s15 =	sadd.s32 @!p1 $0x0, s18;
	s19 =	simm.s32 @!p1 $0x0;
	[sflag:s16] =	ssyncset.done @!p1 $0x0  }
0x43: {  	s17 =	sadd.s32 @!p1 $0xFFFFF100, s15;
	[sflag:s16] =	ssyncadd.s32 @!p1 $0xFFFFC400;
	s16 =	simm.s32 @!p1 $0x5  }
0x44: {  	[hbm4b:s17+s19] =	stream.linear.scatter @!p1 [tilespmem:s20], [sflag:$0x5], $0x3C00, $0x38;
	[tilespmem:$0x1F800] =	vst v63  }
0x45: {  	_ =	swait.ge @!p1 [sflag:s16], $0x3C00  }
0x46: {  	[sflag:s16] =	ssyncset.done @!p1 $0x0  }
0x47: {  	s17 =	sadd.s32 @!p1 $0x13C80, s14;
	[sflag:s16] =	ssyncadd.s32 @!p1 $0xFFFFC400;
	s16 =	simm.s32 @!p1 $0x78  }
0x48: {  	[tilespmem:s20], [sflag:$0x2] =	stream.indirect.gather @!p1 [spmem:s2], $0x80, s17, s16, $0xb8;
	[tilespmem:$0x1F800] =	vst v63  }
0x49: {  	s16 =	simm.s32 @!p1 $0x3  }
0x4a: {  	_ =	swait.ge @!p1 [sflag:s16], $0x3C00  }
0x4b: {  	[sflag:s16] =	ssyncset.done @!p1 $0x0  }
0x4c: {  	s15 =	sadd.s32 @!p1 $0xFFFFF880, s15;
	s17 =	simm.s32 @!p1 $0x1BC00;
	[sflag:s16] =	ssyncadd.s32 @!p1 $0xFFFFC400  }
0x4d: {  	[hbm4b:s15+s19] =	stream.linear.scatter @!p1 [tilespmem:s17], [sflag:$0x6], $0x3C00, $0x38;
	[tilespmem:$0x1F800] =	vst v63  }
0x4e: {  	_ =	swait.ge [sflag:s1], $0x3C00  }
0x4f: {  	s20 =	simm.s32 $0x0;
	[sflag:s1] =	ssyncset.done $0x0  }
0x50: {  	s10 =	sadd.s32 $0x13D00, s14;
	s20 =	simm.s32 @p1 $0x0;
	[sflag:s1] =	ssyncadd.s32 $0xFFFFC400  }
0x51: {  	[tilespmem:s28], [sflag:$0x3] =	stream.indirect.gather [spmem:s2], $0x80, s10, s31, $0xb8;
	[tilespmem:$0x1F800] =	vst v63  }
0x52: {  	s16 =	sadd.s32 s4, s20;
	_ =	swait.ge [sflag:s7], $0x3C00  }
0x53: {  	s15 =	sshll.u32 s16, $0x4;
	[sflag:s7] =	ssyncset.done $0x0  }
0x54: {  	s15 =	sadd.s32 s5, s15;
	[sflag:s7] =	ssyncadd.s32 $0xFFFFC400  }
0x55: {  	[hbm4b:s15+s3] =	stream.linear.scatter [tilespmem:s25], [sflag:$0x4], $0x3C00, $0x38;
	[tilespmem:$0x1F800] =	vst v63  }
0x56: {  	_ =	swait.ge [sflag:s30], $0x3C00  }
0x57: {  	[sflag:s30] =	ssyncset.done $0x0  }
0x58: {  	s17 =	sadd.s32 $0x13D80, s14;
	[sflag:s30] =	ssyncadd.s32 $0xFFFFC400  }
0x59: {  	[tilespmem:s25], [sflag:$0x1] =	stream.indirect.gather [spmem:s2], $0x80, s17, s31, $0xb8;
	[tilespmem:$0x1F800] =	vst v63  }
0x5a: {  	_ =	swait.ge [sflag:s8], $0x3C00  }
0x5b: {  	s19 =	rddreg [dreg:$0x5]  }
0x5c: {  	s15 =	sadd.s32 s20, s19  }
0x5d: {  	[sflag:s8] =	ssyncset.done $0x0;
	s15 =	sshll.u32 s15, $0x4  }
0x5e: {  	[sflag:s8] =	ssyncadd.s32 $0xFFFFC400;
	s15 =	sadd.s32 s5, s15  }
0x5f: {  	[hbm4b:s15+s3] =	stream.linear.scatter [tilespmem:s26], [sflag:$0x5], $0x3C00, $0x38;
	[tilespmem:$0x1F800] =	vst v63  }
0x60: {  	_ =	swait.ge [sflag:s11], $0x3C00  }
0x61: {  	[sflag:s11] =	ssyncset.done $0x0  }
0x62: {  	s21 =	sadd.s32 $0x13E00, s14;
	[sflag:s11] =	ssyncadd.s32 $0xFFFFC400  }
0x63: {  	[tilespmem:s26], [sflag:$0x2] =	stream.indirect.gather [spmem:s2], $0x80, s21, s31, $0xb8;
	[tilespmem:$0x1F800] =	vst v63  }
0x64: {  	_ =	swait.ge [sflag:s12], $0x3C00  }
0x65: {  	s6 =	smov.u32 s22;
	s22 =	rddreg [dreg:$0x6]  }
0x66: {  	s15 =	sadd.s32 s20, s22  }
0x67: {  	[sflag:s12] =	ssyncset.done $0x0;
	s15 =	sshll.u32 s15, $0x4  }
0x68: {  	[sflag:s12] =	ssyncadd.s32 $0xFFFFC400;
	s15 =	sadd.s32 s5, s15  }
0x69: {  	[hbm4b:s15+s3] =	stream.linear.scatter [tilespmem:s28], [sflag:$0x6], $0x3C00, $0x38;
	[tilespmem:$0x1F800] =	vst v63  }
0x6a: {  	_ =	swait.ge [sflag:s1], $0x3C00  }
0x6b: {  	s14 =	sadd.s32 $0x13E80, s14;
	s17 =	simm.s32 $0x1;
	[sflag:s1] =	ssyncset.done $0x0  }
0x6c: {  	s16 =	sadd.s32 $0x80, s9;
	s24 =	sand.u32 $0x1, s17;
	[sflag:s1] =	ssyncadd.s32 $0xFFFFC400  }
0x6d: {  	[tilespmem:s28], [sflag:$0x3] =	stream.indirect.gather [spmem:s2], $0x80, s14, s31, $0xb8;
	[tilespmem:$0x1F800] =	vst v63  }
0x6e: {  	p2 =	seq.s32 s24, $0x1;
	s19 =	simm.s32 $0x5A00;
	_ =	swait.ge [sflag:s7], $0x3C00  }
0x6f: {  	s21 =	simm.s32 $0x2D0;
	s23 =	rddreg [dreg:$0x7];
	[sflag:s7] =	ssyncset.done $0x0  }
0x70: {  	s15 =	simm.s32 $0x2D00;
	[sflag:s7] =	ssyncadd.s32 $0xFFFFC400;
	s24 =	sadd.s32 s20, s23  }
.LBB2_2:
0x71: {  	s20 =	simm.s32 $0x300;
	s14 =	sshll.u32 s24, $0x4  }
0x72: {  	s20 =	simm.s32 @!p2 $0x0;
	s14 =	sadd.s32 s5, s14  }
0x73: {  	[hbm4b:s14+s3] =	stream.linear.scatter [tilespmem:s25], [sflag:$0x4], $0x3C00, $0x38;
	[tilespmem:$0x1F800] =	vst v63  }
0x74: {  	s9 =	sor.u32 $0x13C00, s20  }
0x75: {  	[tilespmem:s9], [sflag:$0x7] =	stream.linear.gather [hbm4b:s16+s3], $0x300, $0x38;
	[tilespmem:$0x1F800] =	vst v63  }
0x76: {  	_ =	swait.ge [sflag:s29], $0x300  }
0x77: {  	[sflag:s29] =	ssyncset.done $0x0  }
0x78: {  	[sflag:s29] =	ssyncadd.s32 $0xFFFFFD00  }
0x79: {  	_ =	swait.ge [sflag:s30], $0x3C00  }
0x7a: {  	p2 =	seq.s32 s15, $0x0;
	[sflag:s30] =	ssyncset.done $0x0  }
0x7b: {  	s0 =	simm.s32 @p2 $0x5;
	[sflag:s30] =	ssyncadd.s32 $0xFFFFC400  }
0x7c: {  	[tilespmem:s25], [sflag:$0x1] =	stream.indirect.gather [spmem:s2], $0x80, s9, s31, $0xb8;
	[tilespmem:$0x1F800] =	vst v63  }
0x7d: {  	_ =	swait.ge @p2 [sflag:s0], $0x3C00  }
0x7e: {  	s14 =	simm.s32 @p2 $0x18000;
	s10 =	sadd.s32 @p2 $0x13C80, s20;
	[sflag:s0] =	ssyncset.done @p2 $0x0  }
0x7f: {  	s22 =	simm.s32 @p2 $0x78;
	[sflag:s0] =	ssyncadd.s32 @p2 $0xFFFFC400;
	s0 =	simm.s32 @!p2 $0x2  }
0x80: {  	[tilespmem:s14], [sflag:$0x2] =	stream.indirect.gather @p2 [spmem:s2], $0x80, s10, s22, $0xb8;
	[tilespmem:$0x1F800] =	vst v63  }
0x81: {  	s15 =	sadd.s32 @!p2 s15, s18;
	_ =	swait.ge @!p2 [sflag:s0], $0x3C00  }
0x82: {  	s9 =	sadd.s32 @!p2 $0xFFFFF100, s15;
	s10 =	simm.s32 @!p2 $0x0;
	[sflag:s0] =	ssyncset.done @!p2 $0x0  }
0x83: {  	s14 =	simm.s32 @!p2 $0x18000;
	[sflag:s0] =	ssyncadd.s32 @!p2 $0xFFFFC400;
	s0 =	simm.s32 @!p2 $0x5  }
0x84: {  	[hbm4b:s9+s10] =	stream.linear.scatter @!p2 [tilespmem:s14], [sflag:$0x5], $0x3C00, $0x38;
	[tilespmem:$0x1F800] =	vst v63  }
0x85: {  	_ =	swait.ge @!p2 [sflag:s0], $0x3C00  }
0x86: {  	s22 =	simm.s32 @!p2 $0x78;
	[sflag:s0] =	ssyncset.done @!p2 $0x0  }
0x87: {  	s9 =	sadd.s32 @!p2 $0x13C80, s20;
	[sflag:s0] =	ssyncadd.s32 @!p2 $0xFFFFC400;
	s0 =	simm.s32 @!p2 $0x3  }
0x88: {  	[tilespmem:s14], [sflag:$0x2] =	stream.indirect.gather @!p2 [spmem:s2], $0x80, s9, s22, $0xb8;
	[tilespmem:$0x1F800] =	vst v63  }
0x89: {  	_ =	swait.ge @!p2 [sflag:s0], $0x3C00  }
0x8a: {  	[sflag:s0] =	ssyncset.done @!p2 $0x0  }
0x8b: {  	s23 =	sadd.s32 @!p2 $0xFFFFF880, s15;
	s9 =	simm.s32 @!p2 $0x1BC00;
	[sflag:s0] =	ssyncadd.s32 @!p2 $0xFFFFC400  }
0x8c: {  	[hbm4b:s23+s10] =	stream.linear.scatter @!p2 [tilespmem:s9], [sflag:$0x6], $0x3C00, $0x38;
	[tilespmem:$0x1F800] =	vst v63  }
0x8d: {  	_ =	swait.ge [sflag:s1], $0x3C00  }
0x8e: {  	s14 =	smov.u32 s21;
	[sflag:s1] =	ssyncset.done $0x0  }
0x8f: {  	s14 =	simm.s32 @p2 $0x0;
	s10 =	sadd.s32 $0x13D00, s20;
	[sflag:s1] =	ssyncadd.s32 $0xFFFFC400  }
0x90: {  	[tilespmem:s28], [sflag:$0x3] =	stream.indirect.gather [spmem:s2], $0x80, s10, s31, $0xb8;
	[tilespmem:$0x1F800] =	vst v63  }
0x91: {  	s22 =	sadd.s32 s4, s14;
	_ =	swait.ge [sflag:s7], $0x3C00  }
0x92: {  	s0 =	sshll.u32 s22, $0x4;
	[sflag:s7] =	ssyncset.done $0x0  }
0x93: {  	s0 =	sadd.s32 s5, s0;
	[sflag:s7] =	ssyncadd.s32 $0xFFFFC400  }
0x94: {  	[hbm4b:s0+s3] =	stream.linear.scatter [tilespmem:s25], [sflag:$0x4], $0x3C00, $0x38;
	[tilespmem:$0x1F800] =	vst v63  }
0x95: {  	_ =	swait.ge [sflag:s30], $0x3C00  }
0x96: {  	[sflag:s30] =	ssyncset.done $0x0  }
0x97: {  	s23 =	sadd.s32 $0x13D80, s20;
	[sflag:s30] =	ssyncadd.s32 $0xFFFFC400  }
0x98: {  	[tilespmem:s25], [sflag:$0x1] =	stream.indirect.gather [spmem:s2], $0x80, s23, s31, $0xb8;
	[tilespmem:$0x1F800] =	vst v63  }
0x99: {  	s24 =	smov.u32 s19;
	_ =	swait.ge [sflag:s8], $0x3C00  }
0x9a: {  	s15 =	smov.u32 s24;
	s24 =	rddreg [dreg:$0x5]  }
0x9b: {  	s0 =	sadd.s32 s14, s24  }
0x9c: {  	[sflag:s8] =	ssyncset.done $0x0;
	s0 =	sshll.u32 s0, $0x4  }
0x9d: {  	[sflag:s8] =	ssyncadd.s32 $0xFFFFC400;
	s0 =	sadd.s32 s5, s0  }
0x9e: {  	[hbm4b:s0+s3] =	stream.linear.scatter [tilespmem:s26], [sflag:$0x5], $0x3C00, $0x38;
	[tilespmem:$0x1F800] =	vst v63  }
0x9f: {  	_ =	swait.ge [sflag:s11], $0x3C00  }
0xa0: {  	[sflag:s11] =	ssyncset.done $0x0  }
0xa1: {  	s9 =	sadd.s32 $0x13E00, s20;
	[sflag:s11] =	ssyncadd.s32 $0xFFFFC400  }
0xa2: {  	[tilespmem:s26], [sflag:$0x2] =	stream.indirect.gather [spmem:s2], $0x80, s9, s31, $0xb8;
	[tilespmem:$0x1F800] =	vst v63  }
0xa3: {  	_ =	swait.ge [sflag:s12], $0x3C00  }
0xa4: {  	s10 =	rddreg [dreg:$0x6]  }
0xa5: {  	s0 =	sadd.s32 s14, s10  }
0xa6: {  	[sflag:s12] =	ssyncset.done $0x0;
	s0 =	sshll.u32 s0, $0x4  }
0xa7: {  	[sflag:s12] =	ssyncadd.s32 $0xFFFFC400;
	s0 =	sadd.s32 s5, s0  }
0xa8: {  	[hbm4b:s0+s3] =	stream.linear.scatter [tilespmem:s28], [sflag:$0x6], $0x3C00, $0x38;
	[tilespmem:$0x1F800] =	vst v63  }
0xa9: {  	s19 =	sadd.s32 $0x2D00, s19;
	_ =	swait.ge [sflag:s1], $0x3C00  }
0xaa: {  	s17 =	sadd.s32 $0x1, s17;
	p1 =	sne.s32 s19, $0x27600;
	[sflag:s1] =	ssyncset.done $0x0  }
.Ltmp0:
0xab: {  	s22 =	sadd.s32 $0x13E80, s20;
	[sflag:s1] =	ssyncadd.s32 $0xFFFFC400;
	(pc) =	sbr.rel @p1 .LBB2_2-.Ltmp0, $4  }
0xac: {  	[tilespmem:s28], [sflag:$0x3] =	stream.indirect.gather [spmem:s2], $0x80, s22, s31, $0xb8;
	[tilespmem:$0x1F800] =	vst v63  }
0xad: {  	s16 =	sadd.s32 $0x80, s16;
	s21 =	sadd.s32 $0x2D0, s21;
	_ =	swait.ge [sflag:s7], $0x3C00  }
0xae: {  	s24 =	sand.u32 $0x1, s17;
	[sflag:s7] =	ssyncset.done $0x0;
	s23 =	rddreg [dreg:$0x7]  }
0xaf: {  	p2 =	seq.s32 s24, $0x1;
	[sflag:s7] =	ssyncadd.s32 $0xFFFFC400;
	s24 =	sadd.s32 s14, s23  }
0xb0: {  	s14 =	simm.s32 $0x300;
	s0 =	sshll.u32 s24, $0x4  }
0xb1: {  	s14 =	simm.s32 @!p2 $0x0;
	s0 =	sadd.s32 s5, s0  }
0xb2: {  	[hbm4b:s0+s3] =	stream.linear.scatter [tilespmem:s25], [sflag:$0x4], $0x3C00, $0x38;
	[tilespmem:$0x1F800] =	vst v63  }
0xb3: {  	s23 =	sor.u32 $0x13C00, s14  }
0xb4: {  	[tilespmem:s23], [sflag:$0x7] =	stream.linear.gather [hbm4b:s16+s3], $0x300, $0x38;
	[tilespmem:$0x1F800] =	vst v63  }
0xb5: {  	_ =	swait.ge [sflag:s29], $0x300  }
0xb6: {  	[sflag:s29] =	ssyncset.done $0x0  }
0xb7: {  	[sflag:s29] =	ssyncadd.s32 $0xFFFFFD00  }
0xb8: {  	_ =	swait.ge [sflag:s30], $0x3C00  }
0xb9: {  	p1 =	seq.s32 s15, $0x0;
	[sflag:s30] =	ssyncset.done $0x0  }
0xba: {  	s9 =	simm.s32 @p1 $0x5;
	[sflag:s30] =	ssyncadd.s32 $0xFFFFC400  }
0xbb: {  	[tilespmem:s25], [sflag:$0x1] =	stream.indirect.gather [spmem:s2], $0x80, s23, s31, $0xb8;
	[tilespmem:$0x1F800] =	vst v63  }
0xbc: {  	_ =	swait.ge @p1 [sflag:s9], $0x3C00  }
0xbd: {  	s0 =	simm.s32 @p1 $0x18000;
	s10 =	sadd.s32 @p1 $0x13C80, s14;
	[sflag:s9] =	ssyncset.done @p1 $0x0  }
0xbe: {  	s16 =	simm.s32 @p1 $0x78;
	[sflag:s9] =	ssyncadd.s32 @p1 $0xFFFFC400;
	s9 =	simm.s32 @!p1 $0x2  }
0xbf: {  	[tilespmem:s0], [sflag:$0x2] =	stream.indirect.gather @p1 [spmem:s2], $0x80, s10, s16, $0xb8;
	[tilespmem:$0x1F800] =	vst v63  }
0xc0: {  	s0 =	sadd.s32 @!p1 s15, s18;
	_ =	swait.ge @!p1 [sflag:s9], $0x3C00  }
0xc1: {  	s15 =	simm.s32 @!p1 $0x0;
	s16 =	simm.s32 @!p1 $0x18000;
	[sflag:s9] =	ssyncset.done @!p1 $0x0  }
0xc2: {  	s10 =	sadd.s32 @!p1 $0xFFFFF100, s0;
	[sflag:s9] =	ssyncadd.s32 @!p1 $0xFFFFC400;
	s9 =	simm.s32 @!p1 $0x5  }
0xc3: {  	[hbm4b:s10+s15] =	stream.linear.scatter @!p1 [tilespmem:s16], [sflag:$0x5], $0x3C00, $0x38;
	[tilespmem:$0x1F800] =	vst v63  }
0xc4: {  	_ =	swait.ge @!p1 [sflag:s9], $0x3C00  }
0xc5: {  	s17 =	simm.s32 @!p1 $0x78;
	[sflag:s9] =	ssyncset.done @!p1 $0x0  }
0xc6: {  	s10 =	sadd.s32 @!p1 $0x13C80, s14;
	[sflag:s9] =	ssyncadd.s32 @!p1 $0xFFFFC400;
	s9 =	simm.s32 @!p1 $0x3  }
0xc7: {  	[tilespmem:s16], [sflag:$0x2] =	stream.indirect.gather @!p1 [spmem:s2], $0x80, s10, s17, $0xb8;
	[tilespmem:$0x1F800] =	vst v63  }
0xc8: {  	_ =	swait.ge @!p1 [sflag:s9], $0x3C00  }
0xc9: {  	[sflag:s9] =	ssyncset.done @!p1 $0x0  }
0xca: {  	s0 =	sadd.s32 @!p1 $0xFFFFF880, s0;
	s10 =	simm.s32 @!p1 $0x1BC00;
	[sflag:s9] =	ssyncadd.s32 @!p1 $0xFFFFC400  }
0xcb: {  	[hbm4b:s0+s15] =	stream.linear.scatter @!p1 [tilespmem:s10], [sflag:$0x6], $0x3C00, $0x38;
	[tilespmem:$0x1F800] =	vst v63  }
0xcc: {  	_ =	swait.ge [sflag:s1], $0x3C00  }
0xcd: {  	[sflag:s1] =	ssyncset.done $0x0  }
0xce: {  	s21 =	simm.s32 @p1 $0x0;
	s24 =	sadd.s32 $0x13D00, s14;
	[sflag:s1] =	ssyncadd.s32 $0xFFFFC400  }
0xcf: {  	[tilespmem:s28], [sflag:$0x3] =	stream.indirect.gather [spmem:s2], $0x80, s24, s31, $0xb8;
	[tilespmem:$0x1F800] =	vst v63  }
0xd0: {  	s9 =	sadd.s32 s4, s21;
	_ =	swait.ge [sflag:s7], $0x3C00  }
0xd1: {  	s0 =	sshll.u32 s9, $0x4;
	[sflag:s7] =	ssyncset.done $0x0  }
0xd2: {  	s0 =	sadd.s32 s5, s0;
	[sflag:s7] =	ssyncadd.s32 $0xFFFFC400  }
0xd3: {  	[hbm4b:s0+s3] =	stream.linear.scatter [tilespmem:s25], [sflag:$0x4], $0x3C00, $0x38;
	[tilespmem:$0x1F800] =	vst v63  }
0xd4: {  	_ =	swait.ge [sflag:s30], $0x3C00  }
0xd5: {  	[sflag:s30] =	ssyncset.done $0x0  }
0xd6: {  	s10 =	sadd.s32 $0x13D80, s14;
	[sflag:s30] =	ssyncadd.s32 $0xFFFFC400  }
0xd7: {  	[tilespmem:s25], [sflag:$0x1] =	stream.indirect.gather [spmem:s2], $0x80, s10, s31, $0xb8;
	[tilespmem:$0x1F800] =	vst v63  }
0xd8: {  	_ =	swait.ge [sflag:s8], $0x3C00  }
0xd9: {  	s15 =	rddreg [dreg:$0x5]  }
0xda: {  	s0 =	sadd.s32 s21, s15  }
0xdb: {  	[sflag:s8] =	ssyncset.done $0x0;
	s0 =	sshll.u32 s0, $0x4  }
0xdc: {  	[sflag:s8] =	ssyncadd.s32 $0xFFFFC400;
	s0 =	sadd.s32 s5, s0  }
0xdd: {  	[hbm4b:s0+s3] =	stream.linear.scatter [tilespmem:s26], [sflag:$0x5], $0x3C00, $0x38;
	[tilespmem:$0x1F800] =	vst v63  }
0xde: {  	_ =	swait.ge [sflag:s11], $0x3C00  }
0xdf: {  	[sflag:s11] =	ssyncset.done $0x0  }
0xe0: {  	s16 =	sadd.s32 $0x13E00, s14;
	[sflag:s11] =	ssyncadd.s32 $0xFFFFC400  }
0xe1: {  	[tilespmem:s26], [sflag:$0x2] =	stream.indirect.gather [spmem:s2], $0x80, s16, s31, $0xb8;
	[tilespmem:$0x1F800] =	vst v63  }
0xe2: {  	_ =	swait.ge [sflag:s12], $0x3C00  }
0xe3: {  	s17 =	rddreg [dreg:$0x6]  }
0xe4: {  	s0 =	sadd.s32 s21, s17  }
0xe5: {  	[sflag:s12] =	ssyncset.done $0x0;
	s0 =	sshll.u32 s0, $0x4  }
0xe6: {  	[sflag:s12] =	ssyncadd.s32 $0xFFFFC400;
	s0 =	sadd.s32 s5, s0  }
0xe7: {  	[hbm4b:s0+s3] =	stream.linear.scatter [tilespmem:s28], [sflag:$0x6], $0x3C00, $0x38;
	[tilespmem:$0x1F800] =	vst v63  }
0xe8: {  	_ =	swait.ge [sflag:s1], $0x3C00  }
0xe9: {  	[sflag:s1] =	ssyncset.done $0x0  }
0xea: {  	s19 =	sadd.s32 $0x13E80, s14;
	[sflag:s1] =	ssyncadd.s32 $0xFFFFC400  }
0xeb: {  	[tilespmem:s28], [sflag:$0x3] =	stream.indirect.gather [spmem:s2], $0x80, s19, s31, $0xb8;
	[tilespmem:$0x1F800] =	vst v63  }
0xec: {  	_ =	swait.ge [sflag:s7], $0x3C00  }
0xed: {  	s20 =	rddreg [dreg:$0x7]  }
0xee: {  	s0 =	sadd.s32 s21, s20  }
0xef: {  	[sflag:s7] =	ssyncset.done $0x0;
	s0 =	sshll.u32 s0, $0x4  }
0xf0: {  	[sflag:s7] =	ssyncadd.s32 $0xFFFFC400;
	s0 =	sadd.s32 s5, s0  }
0xf1: {  	[hbm4b:s0+s3] =	stream.linear.scatter [tilespmem:s25], [sflag:$0x4], $0x3C00, $0x38;
	[tilespmem:$0x1F800] =	vst v63  }
0xf2: {  	_ =	swait.ge [sflag:s8], $0x3C00  }
0xf3: {  	[sflag:s8] =	ssyncset.done $0x0  }
0xf4: {  	s22 =	simm.s32 $0x0;
	s23 =	rddreg [dreg:$0xd];
	[sflag:s8] =	ssyncadd.s32 $0xFFFFC400  }
0xf5: {  	[hbm4b:s23+s22] =	stream.linear.scatter [tilespmem:s26], [sflag:$0x5], $0x3C00, $0x38;
	[tilespmem:$0x1F800] =	vst v63  }
0xf6: {  	_ =	swait.ge [sflag:s12], $0x3C00  }
0xf7: {  	[sflag:s12] =	ssyncset.done $0x0  }
0xf8: {  	s24 =	rddreg [dreg:$0xe];
	[sflag:s12] =	ssyncadd.s32 $0xFFFFC400  }
0xf9: {  	[hbm4b:s24+s22] =	stream.linear.scatter [tilespmem:s28], [sflag:$0x6], $0x3C00, $0x38;
	[tilespmem:$0x1F800] =	vst v63  }
0xfa: {  	_ =	swait.ge [sflag:s30], $0x3C00  }
0xfb: {  	[sflag:s30] =	ssyncset.done $0x0  }
0xfc: {  	[sflag:s30] =	ssyncadd.s32 $0xFFFFC400  }
0xfd: {  	_ =	swait.ge [sflag:s11], $0x3C00  }
0xfe: {  	[sflag:s11] =	ssyncset.done $0x0  }
0xff: {  	[sflag:s11] =	ssyncadd.s32 $0xFFFFC400  }
0x100: {  	_ =	swait.ge [sflag:s1], $0x3C00  }
0x101: {  	[sflag:s1] =	ssyncset.done $0x0  }
0x102: {  	[sflag:s1] =	ssyncadd.s32 $0xFFFFC400  }
0x103: {  	s14 =	simm.s32 $0x0;
	s15 =	simm.s32 $0x200;
	[bflag:$0x0] =	sbarrier.arrive $0xFFFF  }
.LBB2_4:
0x104: {  	p1 =	sne.s32 s15, $0xEE00;
	[tilespmem:s14+$0x14470] =	vst v0  }
0x105: {  	[tilespmem:s14+$0x14400] =	vst v0  }
0x106: {  	[tilespmem:s14+$0x14410] =	vst v0  }
.Ltmp1:
0x107: {  	[tilespmem:s14+$0x14420] =	vst v0;
	(pc) =	sbr.rel @p1 .LBB2_4-.Ltmp1, $4  }
0x108: {  	[tilespmem:s14+$0x14430] =	vst v0  }
0x109: {  	[tilespmem:s14+$0x14440] =	vst v0  }
0x10a: {  	[tilespmem:s14+$0x14450] =	vst v0  }
0x10b: {  	[tilespmem:s14+$0x14460] =	vst v0;
	s14 =	sshra.s32 s15, $0x2;
	s15 =	sadd.s32 $0x200, s15  }
0x10c: {  	[tilespmem:s14+$0x14470] =	vst v0  }
0x10d: {  	[tilespmem:s14+$0x14400] =	vst v0  }
0x10e: {  	[tilespmem:s14+$0x14410] =	vst v0  }
0x10f: {  	[tilespmem:s14+$0x14420] =	vst v0  }
0x110: {  	[tilespmem:s14+$0x14430] =	vst v0  }
0x111: {  	[tilespmem:s14+$0x14440] =	vst v0  }
0x112: {  	[tilespmem:s14+$0x14450] =	vst v0  }
0x113: {  	[tilespmem:s14+$0x14460] =	vst v0  }
0x114: {  	[spmem:s6] =	stream.linear.scatter [tilespmem:s25], [sflag:$0x7], $0x3C00, $0x38;
	[tilespmem:$0x1F800] =	vst v63  }
0x115: {  	_ =	swait.ge [sflag:s29], $0x3C00  }
0x116: {  	[sflag:s29] =	ssyncset.done $0x0  }
0x117: {  	s0 =	rddreg [dreg:$0xf];
	[sflag:s29] =	ssyncadd.s32 $0xFFFFC400  }
0x118: {  	[spmem:s0] =	stream.linear.scatter [tilespmem:s25], [sflag:$0x7], $0x3C00, $0x38;
	[tilespmem:$0x1F800] =	vst v63  }
0x119: {  	_ =	swait.ge [sflag:s29], $0x3C00  }
0x11a: {  	[sflag:s29] =	ssyncset.done $0x0  }
0x11b: {  	s24 =	rddreg [dreg:$0x10];
	[sflag:s29] =	ssyncadd.s32 $0xFFFFC400  }
0x11c: {  	[spmem:s24] =	stream.linear.scatter [tilespmem:s25], [sflag:$0x7], $0x3C00, $0x38;
	[tilespmem:$0x1F800] =	vst v63  }
0x11d: {  	_ =	swait.ge [sflag:s29], $0x3C00  }
0x11e: {  	[sflag:s29] =	ssyncset.done $0x0  }
0x11f: {  	s22 =	smov.u32 s6;
	s6 =	rddreg [dreg:$0x11];
	[sflag:s29] =	ssyncadd.s32 $0xFFFFC400  }
0x120: {  	[spmem:s6] =	stream.linear.scatter [tilespmem:s25], [sflag:$0x7], $0x3C00, $0x38;
	[tilespmem:$0x1F800] =	vst v63  }
0x121: {  	_ =	swait.ge [sflag:s29], $0x3C00  }
0x122: {  	[sflag:s29] =	ssyncset.done $0x0  }
0x123: {  	s9 =	rddreg [dreg:$0x12];
	[sflag:s29] =	ssyncadd.s32 $0xFFFFC400  }
0x124: {  	[spmem:s9] =	stream.linear.scatter [tilespmem:s25], [sflag:$0x7], $0x3C00, $0x38;
	[tilespmem:$0x1F800] =	vst v63  }
0x125: {  	_ =	swait.ge [sflag:s29], $0x3C00  }
0x126: {  	[sflag:s29] =	ssyncset.done $0x0  }
0x127: {  	s10 =	rddreg [dreg:$0x13];
	[sflag:s29] =	ssyncadd.s32 $0xFFFFC400  }
0x128: {  	[spmem:s10] =	stream.linear.scatter [tilespmem:s25], [sflag:$0x7], $0x3C00, $0x38;
	[tilespmem:$0x1F800] =	vst v63  }
0x129: {  	_ =	swait.ge [sflag:s29], $0x3C00  }
0x12a: {  	[sflag:s29] =	ssyncset.done $0x0  }
0x12b: {  	[sflag:s29] =	ssyncadd.s32 $0xFFFFC400  }
0x12c: {  	[bflag:$0x0] =	sbarrier.arrive $0xFFFF  }
0x12d: {  	s14 =	simm.s32 $0x0;
	s21 =	rddreg [dreg:$0xa]  }
0x12e: {  	[tilespmem:s25], [sflag:$0x1] =	stream.linear.gather [hbm4b:s21+s14], $0x3C00, $0x38;
	[tilespmem:$0x1F800] =	vst v63  }
0x12f: {  	s0 =	sand.u32 $0x1, s14;
	s23 =	rddreg [dreg:$0xb]  }
0x130: {  	[tilespmem:s26], [sflag:$0x2] =	stream.linear.gather [hbm4b:s23+s14], $0x3C00, $0x38;
	[tilespmem:$0x1F800] =	vst v63  }
0x131: {  	p1 =	seq.s32 s0, $0x1;
	s14 =	simm.s32 $0x300  }
0x132: {  	s14 =	simm.s32 @!p1 $0x0  }
0x133: {  	s17 =	rddreg [dreg:$0x17];
	s15 =	sor.u32 $0x13C00, s14  }
0x134: {  	[tilespmem:s15], [sflag:$0x7] =	stream.linear.gather [hbm4b:s17+s3], $0x300, $0x38;
	[tilespmem:$0x1F800] =	vst v63  }
0x135: {  	_ =	swait.ge [sflag:s29], $0x300  }
0x136: {  	s9 =	sadd.s32 $0x0, s18;
	[sflag:s29] =	ssyncset.done $0x0  }
0x137: {  	s10 =	sadd.s32 $0xF00, s9;
	[sflag:s29] =	ssyncadd.s32 $0xFFFFFD00  }
0x138: {  	[tilespmem:s28], [sflag:$0x3] =	stream.linear.gather [hbm4b:s10+s3], $0x3C00, $0x38;
	[tilespmem:$0x1F800] =	vst v63  }
0x139: {  	_ =	swait.ge [sflag:s7], $0x3C00  }
0x13a: {  	[sflag:s7] =	ssyncset.done $0x0  }
0x13b: {  	[sflag:s7] =	ssyncadd.s32 $0xFFFFC400  }
0x13c: {  	[spmem:s2] =	stream.indirect.scatter.add.f32 [tilespmem:s25], [sflag:$0x7], $0x80, s15, s31, $0xb8;
	[tilespmem:$0x1F800] =	vst v63  }
0x13d: {  	_ =	swait.ge [sflag:s29], $0x3C00  }
0x13e: {  	[sflag:s29] =	ssyncset.done $0x0  }
0x13f: {  	s16 =	sadd.s32 $0x1680, s9;
	[sflag:s29] =	ssyncadd.s32 $0xFFFFC400  }
0x140: {  	[tilespmem:s25], [sflag:$0x1] =	stream.linear.gather [hbm4b:s16+s3], $0x3C00, $0x38;
	[tilespmem:$0x1F800] =	vst v63  }
0x141: {  	_ =	swait.ge [sflag:s8], $0x3C00  }
0x142: {  	[sflag:s8] =	ssyncset.done $0x0  }
0x143: {  	s19 =	sor.u32 $0x13C80, s14;
	[sflag:s8] =	ssyncadd.s32 $0xFFFFC400  }
0x144: {  	[spmem:s2] =	stream.indirect.scatter.add.f32 [tilespmem:s26], [sflag:$0x7], $0x80, s19, s31, $0xb8;
	[tilespmem:$0x1F800] =	vst v63  }
0x145: {  	_ =	swait.ge [sflag:s29], $0x3C00  }
0x146: {  	[sflag:s29] =	ssyncset.done $0x0  }
0x147: {  	s20 =	sadd.s32 $0x1E00, s9;
	[sflag:s29] =	ssyncadd.s32 $0xFFFFC400  }
0x148: {  	[tilespmem:s26], [sflag:$0x2] =	stream.linear.gather [hbm4b:s20+s3], $0x3C00, $0x38;
	[tilespmem:$0x1F800] =	vst v63  }
0x149: {  	_ =	swait.ge [sflag:s12], $0x3C00  }
0x14a: {  	[sflag:s12] =	ssyncset.done $0x0  }
0x14b: {  	s24 =	sadd.s32 $0x13D00, s14;
	[sflag:s12] =	ssyncadd.s32 $0xFFFFC400  }
0x14c: {  	[spmem:s2] =	stream.indirect.scatter.add.f32 [tilespmem:s28], [sflag:$0x7], $0x80, s24, s31, $0xb8;
	[tilespmem:$0x1F800] =	vst v63  }
0x14d: {  	_ =	swait.ge [sflag:s29], $0x3C00  }
0x14e: {  	[sflag:s29] =	ssyncset.done $0x0  }
0x14f: {  	s6 =	sadd.s32 $0x2580, s9;
	[sflag:s29] =	ssyncadd.s32 $0xFFFFC400  }
0x150: {  	[tilespmem:s28], [sflag:$0x3] =	stream.linear.gather [hbm4b:s6+s3], $0x3C00, $0x38;
	[tilespmem:$0x1F800] =	vst v63  }
0x151: {  	_ =	swait.ge [sflag:s7], $0x3C00  }
0x152: {  	[sflag:s7] =	ssyncset.done $0x0  }
0x153: {  	s10 =	sadd.s32 $0x13D80, s14;
	[sflag:s7] =	ssyncadd.s32 $0xFFFFC400  }
0x154: {  	[spmem:s2] =	stream.indirect.scatter.add.f32 [tilespmem:s25], [sflag:$0x7], $0x80, s10, s31, $0xb8;
	[tilespmem:$0x1F800] =	vst v63  }
0x155: {  	_ =	swait.ge [sflag:s29], $0x3C00  }
0x156: {  	[sflag:s29] =	ssyncset.done $0x0  }
0x157: {  	s15 =	sadd.s32 $0x2D00, s9;
	[sflag:s29] =	ssyncadd.s32 $0xFFFFC400  }
0x158: {  	[tilespmem:s25], [sflag:$0x1] =	stream.linear.gather [hbm4b:s15+s3], $0x3C00, $0x38;
	[tilespmem:$0x1F800] =	vst v63  }
0x159: {  	_ =	swait.ge [sflag:s8], $0x3C00  }
0x15a: {  	[sflag:s8] =	ssyncset.done $0x0  }
0x15b: {  	s16 =	sadd.s32 $0x13E00, s14;
	[sflag:s8] =	ssyncadd.s32 $0xFFFFC400  }
0x15c: {  	[spmem:s2] =	stream.indirect.scatter.add.f32 [tilespmem:s26], [sflag:$0x7], $0x80, s16, s31, $0xb8;
	[tilespmem:$0x1F800] =	vst v63  }
0x15d: {  	_ =	swait.ge [sflag:s29], $0x3C00  }
0x15e: {  	[sflag:s29] =	ssyncset.done $0x0  }
0x15f: {  	s19 =	sadd.s32 $0x3480, s9;
	[sflag:s29] =	ssyncadd.s32 $0xFFFFC400  }
0x160: {  	[tilespmem:s26], [sflag:$0x2] =	stream.linear.gather [hbm4b:s19+s3], $0x3C00, $0x38;
	[tilespmem:$0x1F800] =	vst v63  }
0x161: {  	_ =	swait.ge [sflag:s12], $0x3C00  }
0x162: {  	s24 =	sadd.s32 $0x13E80, s14;
	s16 =	simm.s32 $0x1;
	[sflag:s12] =	ssyncset.done $0x0  }
0x163: {  	s14 =	simm.s32 $0x300;
	s20 =	sand.u32 $0x1, s16;
	[sflag:s12] =	ssyncadd.s32 $0xFFFFC400  }
0x164: {  	[spmem:s2] =	stream.indirect.scatter.add.f32 [tilespmem:s28], [sflag:$0x7], $0x80, s24, s31, $0xb8;
	[tilespmem:$0x1F800] =	vst v63  }
0x165: {  	s15 =	simm.s32 $0x2D00;
	p1 =	seq.s32 s20, $0x1;
	_ =	swait.ge [sflag:s29], $0x3C00  }
0x166: {  	s14 =	simm.s32 @!p1 $0x0;
	s19 =	simm.s32 $0x5A00;
	[sflag:s29] =	ssyncset.done $0x0  }
.LBB2_6:
0x167: {  	s0 =	sor.u32 $0x13C00, s14  }
0x168: {  	[sflag:s29] =	ssyncadd.s32 $0xFFFFC400;
	s17 =	sadd.s32 $0x80, s17;
	s9 =	smov.u32 s19  }
0x169: {  	[tilespmem:s0], [sflag:$0x7] =	stream.linear.gather [hbm4b:s17+s3], $0x300, $0x38;
	[tilespmem:$0x1F800] =	vst v63  }
0x16a: {  	p1 =	sne.s32 s19, $0x24900;
	s19 =	sadd.s32 $0x2D00, s19;
	_ =	swait.ge [sflag:s29], $0x300  }
0x16b: {  	s20 =	sadd.s32 s15, s18;
	s15 =	smov.u32 s9;
	[sflag:s29] =	ssyncset.done $0x0  }
0x16c: {  	s9 =	sadd.s32 $0xF00, s20;
	[sflag:s29] =	ssyncadd.s32 $0xFFFFFD00  }
0x16d: {  	[tilespmem:s28], [sflag:$0x3] =	stream.linear.gather [hbm4b:s9+s3], $0x3C00, $0x38;
	[tilespmem:$0x1F800] =	vst v63  }
0x16e: {  	_ =	swait.ge [sflag:s7], $0x3C00  }
0x16f: {  	[sflag:s7] =	ssyncset.done $0x0  }
0x170: {  	[sflag:s7] =	ssyncadd.s32 $0xFFFFC400  }
0x171: {  	[spmem:s2] =	stream.indirect.scatter.add.f32 [tilespmem:s25], [sflag:$0x7], $0x80, s0, s31, $0xb8;
	[tilespmem:$0x1F800] =	vst v63  }
0x172: {  	_ =	swait.ge [sflag:s29], $0x3C00  }
0x173: {  	[sflag:s29] =	ssyncset.done $0x0  }
0x174: {  	s0 =	sadd.s32 $0x1680, s20;
	[sflag:s29] =	ssyncadd.s32 $0xFFFFC400  }
0x175: {  	[tilespmem:s25], [sflag:$0x1] =	stream.linear.gather [hbm4b:s0+s3], $0x3C00, $0x38;
	[tilespmem:$0x1F800] =	vst v63  }
0x176: {  	_ =	swait.ge [sflag:s8], $0x3C00  }
0x177: {  	[sflag:s8] =	ssyncset.done $0x0  }
0x178: {  	s0 =	sor.u32 $0x13C80, s14;
	[sflag:s8] =	ssyncadd.s32 $0xFFFFC400  }
0x179: {  	[spmem:s2] =	stream.indirect.scatter.add.f32 [tilespmem:s26], [sflag:$0x7], $0x80, s0, s31, $0xb8;
	[tilespmem:$0x1F800] =	vst v63  }
0x17a: {  	_ =	swait.ge [sflag:s29], $0x3C00  }
0x17b: {  	[sflag:s29] =	ssyncset.done $0x0  }
0x17c: {  	s0 =	sadd.s32 $0x1E00, s20;
	[sflag:s29] =	ssyncadd.s32 $0xFFFFC400  }
0x17d: {  	[tilespmem:s26], [sflag:$0x2] =	stream.linear.gather [hbm4b:s0+s3], $0x3C00, $0x38;
	[tilespmem:$0x1F800] =	vst v63  }
0x17e: {  	_ =	swait.ge [sflag:s12], $0x3C00  }
0x17f: {  	[sflag:s12] =	ssyncset.done $0x0  }
0x180: {  	s0 =	sadd.s32 $0x13D00, s14;
	[sflag:s12] =	ssyncadd.s32 $0xFFFFC400  }
0x181: {  	[spmem:s2] =	stream.indirect.scatter.add.f32 [tilespmem:s28], [sflag:$0x7], $0x80, s0, s31, $0xb8;
	[tilespmem:$0x1F800] =	vst v63  }
0x182: {  	_ =	swait.ge [sflag:s29], $0x3C00  }
0x183: {  	[sflag:s29] =	ssyncset.done $0x0  }
0x184: {  	s0 =	sadd.s32 $0x2580, s20;
	[sflag:s29] =	ssyncadd.s32 $0xFFFFC400  }
0x185: {  	[tilespmem:s28], [sflag:$0x3] =	stream.linear.gather [hbm4b:s0+s3], $0x3C00, $0x38;
	[tilespmem:$0x1F800] =	vst v63  }
0x186: {  	_ =	swait.ge [sflag:s7], $0x3C00  }
0x187: {  	[sflag:s7] =	ssyncset.done $0x0  }
0x188: {  	s0 =	sadd.s32 $0x13D80, s14;
	[sflag:s7] =	ssyncadd.s32 $0xFFFFC400  }
0x189: {  	[spmem:s2] =	stream.indirect.scatter.add.f32 [tilespmem:s25], [sflag:$0x7], $0x80, s0, s31, $0xb8;
	[tilespmem:$0x1F800] =	vst v63  }
0x18a: {  	_ =	swait.ge [sflag:s29], $0x3C00  }
0x18b: {  	[sflag:s29] =	ssyncset.done $0x0  }
0x18c: {  	s0 =	sadd.s32 $0x2D00, s20;
	[sflag:s29] =	ssyncadd.s32 $0xFFFFC400  }
0x18d: {  	[tilespmem:s25], [sflag:$0x1] =	stream.linear.gather [hbm4b:s0+s3], $0x3C00, $0x38;
	[tilespmem:$0x1F800] =	vst v63  }
0x18e: {  	_ =	swait.ge [sflag:s8], $0x3C00  }
0x18f: {  	[sflag:s8] =	ssyncset.done $0x0  }
0x190: {  	s0 =	sadd.s32 $0x13E00, s14;
	[sflag:s8] =	ssyncadd.s32 $0xFFFFC400  }
0x191: {  	[spmem:s2] =	stream.indirect.scatter.add.f32 [tilespmem:s26], [sflag:$0x7], $0x80, s0, s31, $0xb8;
	[tilespmem:$0x1F800] =	vst v63  }
0x192: {  	_ =	swait.ge [sflag:s29], $0x3C00  }
0x193: {  	[sflag:s29] =	ssyncset.done $0x0  }
0x194: {  	s0 =	sadd.s32 $0x3480, s20;
	[sflag:s29] =	ssyncadd.s32 $0xFFFFC400  }
0x195: {  	[tilespmem:s26], [sflag:$0x2] =	stream.linear.gather [hbm4b:s0+s3], $0x3C00, $0x38;
	[tilespmem:$0x1F800] =	vst v63  }
0x196: {  	_ =	swait.ge [sflag:s12], $0x3C00  }
.Ltmp2:
0x197: {  	s16 =	sadd.s32 $0x1, s16;
	[sflag:s12] =	ssyncset.done $0x0;
	(pc) =	sbr.rel @p1 .LBB2_6-.Ltmp2, $4  }
0x198: {  	s9 =	sadd.s32 $0x13E80, s14;
	s0 =	sand.u32 $0x1, s16;
	[sflag:s12] =	ssyncadd.s32 $0xFFFFC400  }
0x199: {  	[spmem:s2] =	stream.indirect.scatter.add.f32 [tilespmem:s28], [sflag:$0x7], $0x80, s9, s31, $0xb8;
	[tilespmem:$0x1F800] =	vst v63  }
0x19a: {  	s14 =	simm.s32 $0x300;
	p2 =	seq.s32 s0, $0x1;
	_ =	swait.ge [sflag:s29], $0x3C00  }
0x19b: {  	s14 =	simm.s32 @!p2 $0x0;
	[sflag:s29] =	ssyncset.done $0x0  }
0x19c: {  	s0 =	sor.u32 $0x13C00, s14;
	[sflag:s29] =	ssyncadd.s32 $0xFFFFC400;
	s9 =	sadd.s32 $0x80, s17  }
0x19d: {  	[tilespmem:s0], [sflag:$0x7] =	stream.linear.gather [hbm4b:s9+s3], $0x300, $0x38;
	[tilespmem:$0x1F800] =	vst v63  }
0x19e: {  	_ =	swait.ge [sflag:s29], $0x300  }
0x19f: {  	s9 =	sadd.s32 s15, s18;
	[sflag:s29] =	ssyncset.done $0x0  }
0x1a0: {  	s10 =	sadd.s32 $0xF00, s9;
	[sflag:s29] =	ssyncadd.s32 $0xFFFFFD00  }
0x1a1: {  	[tilespmem:s28], [sflag:$0x3] =	stream.linear.gather [hbm4b:s10+s3], $0x3C00, $0x38;
	[tilespmem:$0x1F800] =	vst v63  }
0x1a2: {  	_ =	swait.ge [sflag:s7], $0x3C00  }
0x1a3: {  	[sflag:s7] =	ssyncset.done $0x0  }
0x1a4: {  	[sflag:s7] =	ssyncadd.s32 $0xFFFFC400  }
0x1a5: {  	[spmem:s2] =	stream.indirect.scatter.add.f32 [tilespmem:s25], [sflag:$0x7], $0x80, s0, s31, $0xb8;
	[tilespmem:$0x1F800] =	vst v63  }
0x1a6: {  	_ =	swait.ge [sflag:s29], $0x3C00  }
0x1a7: {  	[sflag:s29] =	ssyncset.done $0x0  }
0x1a8: {  	s16 =	sadd.s32 $0x1680, s9;
	[sflag:s29] =	ssyncadd.s32 $0xFFFFC400  }
0x1a9: {  	[tilespmem:s25], [sflag:$0x1] =	stream.linear.gather [hbm4b:s16+s3], $0x3C00, $0x38;
	[tilespmem:$0x1F800] =	vst v63  }
0x1aa: {  	_ =	swait.ge [sflag:s8], $0x3C00  }
0x1ab: {  	[sflag:s8] =	ssyncset.done $0x0  }
0x1ac: {  	s17 =	sor.u32 $0x13C80, s14;
	[sflag:s8] =	ssyncadd.s32 $0xFFFFC400  }
0x1ad: {  	[spmem:s2] =	stream.indirect.scatter.add.f32 [tilespmem:s26], [sflag:$0x7], $0x80, s17, s31, $0xb8;
	[tilespmem:$0x1F800] =	vst v63  }
0x1ae: {  	_ =	swait.ge [sflag:s29], $0x3C00  }
0x1af: {  	[sflag:s29] =	ssyncset.done $0x0  }
0x1b0: {  	s19 =	sadd.s32 $0x1E00, s9;
	[sflag:s29] =	ssyncadd.s32 $0xFFFFC400  }
0x1b1: {  	[tilespmem:s26], [sflag:$0x2] =	stream.linear.gather [hbm4b:s19+s3], $0x3C00, $0x38;
	[tilespmem:$0x1F800] =	vst v63  }
0x1b2: {  	_ =	swait.ge [sflag:s12], $0x3C00  }
0x1b3: {  	[sflag:s12] =	ssyncset.done $0x0  }
0x1b4: {  	s20 =	sadd.s32 $0x13D00, s14;
	[sflag:s12] =	ssyncadd.s32 $0xFFFFC400  }
0x1b5: {  	[spmem:s2] =	stream.indirect.scatter.add.f32 [tilespmem:s28], [sflag:$0x7], $0x80, s20, s31, $0xb8;
	[tilespmem:$0x1F800] =	vst v63  }
0x1b6: {  	_ =	swait.ge [sflag:s29], $0x3C00  }
0x1b7: {  	[sflag:s29] =	ssyncset.done $0x0  }
0x1b8: {  	s24 =	sadd.s32 $0x2580, s9;
	[sflag:s29] =	ssyncadd.s32 $0xFFFFC400  }
0x1b9: {  	[tilespmem:s28], [sflag:$0x3] =	stream.linear.gather [hbm4b:s24+s3], $0x3C00, $0x38;
	[tilespmem:$0x1F800] =	vst v63  }
0x1ba: {  	_ =	swait.ge [sflag:s7], $0x3C00  }
0x1bb: {  	[sflag:s7] =	ssyncset.done $0x0  }
0x1bc: {  	s6 =	sadd.s32 $0x13D80, s14;
	[sflag:s7] =	ssyncadd.s32 $0xFFFFC400  }
0x1bd: {  	[spmem:s2] =	stream.indirect.scatter.add.f32 [tilespmem:s25], [sflag:$0x7], $0x80, s6, s31, $0xb8;
	[tilespmem:$0x1F800] =	vst v63  }
0x1be: {  	_ =	swait.ge [sflag:s29], $0x3C00  }
0x1bf: {  	[sflag:s29] =	ssyncset.done $0x0  }
0x1c0: {  	s10 =	sadd.s32 $0x2D00, s9;
	[sflag:s29] =	ssyncadd.s32 $0xFFFFC400  }
0x1c1: {  	[tilespmem:s25], [sflag:$0x1] =	stream.linear.gather [hbm4b:s10+s3], $0x3C00, $0x38;
	[tilespmem:$0x1F800] =	vst v63  }
0x1c2: {  	_ =	swait.ge [sflag:s8], $0x3C00  }
0x1c3: {  	[sflag:s8] =	ssyncset.done $0x0  }
0x1c4: {  	s15 =	sadd.s32 $0x13E00, s14;
	[sflag:s8] =	ssyncadd.s32 $0xFFFFC400  }
0x1c5: {  	[spmem:s2] =	stream.indirect.scatter.add.f32 [tilespmem:s26], [sflag:$0x7], $0x80, s15, s31, $0xb8;
	[tilespmem:$0x1F800] =	vst v63  }
0x1c6: {  	_ =	swait.ge [sflag:s29], $0x3C00  }
0x1c7: {  	[sflag:s29] =	ssyncset.done $0x0  }
0x1c8: {  	s16 =	sadd.s32 $0x3480, s9;
	[sflag:s29] =	ssyncadd.s32 $0xFFFFC400  }
0x1c9: {  	[tilespmem:s26], [sflag:$0x2] =	stream.linear.gather [hbm4b:s16+s3], $0x3C00, $0x38;
	[tilespmem:$0x1F800] =	vst v63  }
0x1ca: {  	_ =	swait.ge [sflag:s12], $0x3C00  }
0x1cb: {  	[sflag:s12] =	ssyncset.done $0x0  }
0x1cc: {  	s17 =	sadd.s32 $0x13E80, s14;
	[sflag:s12] =	ssyncadd.s32 $0xFFFFC400  }
0x1cd: {  	[spmem:s2] =	stream.indirect.scatter.add.f32 [tilespmem:s28], [sflag:$0x7], $0x80, s17, s31, $0xb8;
	[tilespmem:$0x1F800] =	vst v63  }
0x1ce: {  	_ =	swait.ge [sflag:s29], $0x3C00  }
0x1cf: {  	[sflag:s29] =	ssyncset.done $0x0  }
0x1d0: {  	[sflag:s29] =	ssyncadd.s32 $0xFFFFC400  }
0x1d1: {  	_ =	swait.ge [sflag:s7], $0x3C00  }
0x1d2: {  	[sflag:s7] =	ssyncset.done $0x0  }
0x1d3: {  	[sflag:s7] =	ssyncadd.s32 $0xFFFFC400  }
0x1d4: {  	_ =	swait.ge [sflag:s8], $0x3C00  }
0x1d5: {  	[sflag:s8] =	ssyncset.done $0x0  }
0x1d6: {  	s17 =	stileid.u32;
	[sflag:s8] =	ssyncadd.s32 $0xFFFFC400  }
0x1d7: {  	s19 =	sshll.u32 s17, $0x6;
	[bflag:$0x0] =	sbarrier.arrive $0xFFFF  }
0x1d8: {  	s20 =	sshrl.u32 s22, $0x3;
	s0 =	sor.u32 $0x1C07, s19;
	s6 =	rddreg [dreg:$0x14]  }
0x1d9: {  	[hbm:s6], [sflag:s0] =	dma.local [spmem:s20], $0x2780  }
0x1da: {  	_ =	swait.ge [sflag:s29], $0x2780  }
0x1db: {  	s13 =	sadd.s32 $0x1, s13;
	s24 =	rddreg [dreg:$0x15]  }
0x1dc: {  	p1 =	sne.s32 s13, s24  }
.Ltmp3:
0x1dd: {  	_ = 	snop;
	(pc) =	sbr.rel @p1 .LBB2_1-.Ltmp3, $3  }
0x1de: {  	_ =	sdelay $0x1  }
0x1df: {  	[sflag:s29] =	ssyncset.done $0x0  }
0x1e0: {  	[sflag:s29] =	ssyncadd.s32 $0xFFFFD880  }
0x1e1: {  	_ =	sfence.sel $0x180000  }
0x1e2: {  	[bflag:$0x0] =	sbarrier.arrive $0xFFFF  }
0x1e3: {  	_ =	strace $0x90000047  }
0x1e4: {  	[bflag:$0x2] =	sbarrier.arrive $0xFFFF  }
0x1e5: {  	p0 =	sne.s32 s17, $0x0;
	s0 =	rddreg [dreg:$0x4]  }
0x1e6: {  	s0 =	sadd.s32 @!p0 $0x100000, s0  }
0x1e7: {  	[sflag:s0] =	ssyncadd.tile.s32 @!p0 $0x1;
	_ =	shalt  }
.Lfunc_end2:
_tile_overlayer_lowered:
.L_overlay_start_2:
0x1e8: {  	(tag) =	ssettag $0x2  }
0x1e9: {  	s0 =	rddreg [dreg:$0x0];
	s2 =	stileid.u32  }
0x1ea: {  	s1 =	rddreg [dreg:$0x1];
	p0 =	sne.s32 s2, $0x0  }
0x1eb: {  	s3 =	rddreg [dreg:$0x2];
	[bflag:$0x3] =	sbarrier.arrive $0xFFFF;
	s2 =	simm.s32 @!p0 $0x1C07  }
0x1ec: {  	[timem:s3], [sflag:s2] =	dma.local @!p0 [hbm:s0], s1  }
0x1ed: {  	s0 =	simm.s32 @!p0 $0x7  }
0x1ee: {  	_ =	swait.ge @!p0 [sflag:s0], s1  }
0x1ef: {  	s1 =	ssub.s32 @!p0 $0x0, s1;
	[sflag:s0] =	ssyncset.done @!p0 $0x0  }
0x1f0: {  	[sflag:s0] =	ssyncadd.s32 @!p0 s1  }
0x1f1: {  	[bflag:$0x3] =	sbarrier.arrive $0xFFFF  }
0x1f2: {  	_ =	shalt  }

</sc_bundles>
